<compile_context>
chip_gen: v7x
topology: tpu7x:2x2x1
jax: 0.10.2.dev20260603
libtpu: 0.0.44.dev20260713+nightly
codegen_flags: <defaults>
</compile_context>

<pallas_src>
import functools

import jax
import jax.numpy as jnp
from jax import lax
from jax.experimental import pallas as pl
from jax.experimental.pallas import tpu as pltpu
from jax.experimental.pallas import tpu_sc as plsc

N_NODES = 10000
N_EDGES = 320000
HIDDEN = 128

_NUM_WORKERS = 32
_EDGES_PER_WORKER = N_EDGES // _NUM_WORKERS
_LANES = 16


_N_PAD = 10240


def _scores_body(x_ref, w_ref, s_ref):
    s01 = jnp.dot(w_ref[...], x_ref[...].T,
                  preferred_element_type=jnp.float32)
    s_ref[pl.ds(0, N_NODES)] = s01[0, :]
    s_ref[pl.ds(_N_PAD, N_NODES)] = s01[1, :]


def _node_scores(x, w):
    return pl.pallas_call(
        _scores_body,
        out_shape=jax.ShapeDtypeStruct((2 * _N_PAD,), jnp.float32),
    )(x, w)


_TILE = 128
_N_TILES = N_EDGES // _TILE
_T_MAIN = _N_TILES // _NUM_WORKERS
_E_MAIN = _T_MAIN * _TILE
_T_EXTRA = _N_TILES - _T_MAIN * _NUM_WORKERS


def _make_edge_kernel():
    mesh = plsc.VectorSubcoreMesh(core_axis_name="c", subcore_axis_name="s")

    _NSUB = 3
    _E_SUB = _E_MAIN // _NSUB

    @functools.partial(
        pl.kernel,
        mesh=mesh,
        out_type=jax.ShapeDtypeStruct((N_EDGES,), jnp.float32),
        compiler_params=pltpu.CompilerParams(needs_layout_passes=False),
        scratch_types=[
            pltpu.VMEM((2, _E_MAIN), jnp.int32),
            pltpu.VMEM((2, _TILE), jnp.int32),
            pltpu.VMEM((2 * _N_PAD,), jnp.float32),
            pltpu.VMEM((_E_MAIN,), jnp.float32),
            pltpu.VMEM((_TILE,), jnp.float32),
            pltpu.SemaphoreType.DMA,
            pltpu.SemaphoreType.DMA,
            [pltpu.SemaphoreType.DMA] * _NSUB,
            [pltpu.SemaphoreType.DMA] * _NSUB,
        ],
    )
    def edge_kernel(ei_hbm, s_hbm, out_hbm, ei_v, ei_fix_v, s_v, out_v,
                    out_fix_v, sem_s, sem_fix, sems_in, sems_out):
        wid = lax.axis_index("s") * 2 + lax.axis_index("c")
        base = wid * _E_MAIN
        cp_s = pltpu.async_copy(s_hbm, s_v, sem_s)
        cps_in = [
            pltpu.async_copy(
                ei_hbm.at[:, pl.ds(base + k * _E_SUB, _E_SUB)],
                ei_v.at[:, pl.ds(k * _E_SUB, _E_SUB)],
                sems_in[k],
            )
            for k in range(_NSUB)
        ]

        fix_base = (_N_TILES - _T_EXTRA + wid) * _TILE

        @pl.when(wid < _T_EXTRA)
        def _():
            pltpu.async_copy(ei_hbm.at[:, pl.ds(fix_base, _TILE)], ei_fix_v,
                             sem_fix).wait()

        cp_s.wait()

        cps_out = []
        for k in range(_NSUB):
            cps_in[k].wait()

            @plsc.parallel_loop(k * _E_SUB, (k + 1) * _E_SUB, step=_LANES,
                                unroll=8)
            def body(off):
                r = ei_v[0, pl.ds(off, _LANES)]
                c = ei_v[1, pl.ds(off, _LANES)]
                a = plsc.load_gather(s_v, [r])
                b = plsc.load_gather(s_v, [c + _N_PAD])
                z = a + b
                out_v[pl.ds(off, _LANES)] = 1.0 / (1.0 + jnp.exp(-z))

            cps_out.append(
                pltpu.async_copy(
                    out_v.at[pl.ds(k * _E_SUB, _E_SUB)],
                    out_hbm.at[pl.ds(base + k * _E_SUB, _E_SUB)],
                    sems_out[k],
                ))

        @pl.when(wid < _T_EXTRA)
        def _():
            @plsc.parallel_loop(0, _TILE, step=_LANES, unroll=8)
            def fix_body(off):
                r = ei_fix_v[0, pl.ds(off, _LANES)]
                c = ei_fix_v[1, pl.ds(off, _LANES)]
                a = plsc.load_gather(s_v, [r])
                b = plsc.load_gather(s_v, [c + _N_PAD])
                z = a + b
                out_fix_v[pl.ds(off, _LANES)] = 1.0 / (1.0 + jnp.exp(-z))

            pltpu.sync_copy(out_fix_v, out_hbm.at[pl.ds(fix_base, _TILE)])

        for cp in cps_out:
            cp.wait()

    return edge_kernel


_edge_kernel = _make_edge_kernel()


def kernel(edge_index, x, att_weight):
    ei = edge_index.astype(jnp.int32)
    w = att_weight.reshape(2, HIDDEN)
    s = _node_scores(x, w)
    return _edge_kernel(ei, s).reshape(N_EDGES, 1)

# --- scband reference (transcript-rebuilt; emitter-appended) ---
"""Pipeline reference for scband-adaptive-att-8684423872568 (READ-ONLY COPY).

The authoritative reference and input builder live on the scoring server;
editing this copy changes nothing except your own understanding.
"""

import jax, jax.numpy as jnp
import numpy as np

N_NODES = 10000
N_EDGES = 320000
HIDDEN = 128

def setup_inputs(seed: int = 0) -> dict:
    key = jax.random.key(seed)
    k1, k2, k3 = jax.random.split(key, 3)
    edge_index = jax.random.randint(k1, (2, N_EDGES), 0, N_NODES, dtype=jnp.int64)
    x = jax.random.normal(k2, (N_NODES, HIDDEN), dtype=jnp.float32)
    # xavier_uniform init for att_weight of shape (1, 2*HIDDEN)
    fan_in, fan_out = 2 * HIDDEN, 1
    limit = float(np.sqrt(6.0 / (fan_in + fan_out)))
    att_weight = jax.random.uniform(k3, (1, 2 * HIDDEN), minval=-limit, maxval=limit, dtype=jnp.float32)
    return {"edge_index": edge_index, "x": x, "att_weight": att_weight}

def reference(edge_index, x, att_weight):
    row = edge_index[0]
    col = edge_index[1]
    h = jnp.concatenate([jnp.take(x, row, axis=0), jnp.take(x, col, axis=0)], axis=1)
    mi_att = jnp.matmul(h, att_weight.T)
    mi_att = jax.nn.sigmoid(mi_att)
    return mi_att

if __name__ == "__main__":
    import jax
    _d = setup_inputs()
    print(jax.jit(kernel)(*tuple(_d.values())))

</pallas_src>

<mosaic_0001>
#map = affine_map<(d0, d1) -> (0, 0)>
#map1 = affine_map<(d0, d1) -> (0)>
module attributes {stable_mosaic.version = 14 : i64} {
  func.func @edge_kernel(%arg0: i32, %arg1: i32, %arg2: memref<2x320000xi32, #tpu.memory_space<hbm>>, %arg3: memref<20480xf32, #tpu.memory_space<hbm>>, %arg4: memref<320000xf32, #tpu.memory_space<hbm>>, %arg5: memref<2x9984xi32, #tpu.memory_space<vmem>>, %arg6: memref<2x128xi32, #tpu.memory_space<vmem>>, %arg7: memref<20480xf32, #tpu.memory_space<vmem>>, %arg8: memref<9984xf32, #tpu.memory_space<vmem>>, %arg9: memref<128xf32, #tpu.memory_space<vmem>>, %arg10: memref<!tpu.dma_semaphore, #tpu.memory_space<semaphore_mem>>, %arg11: memref<!tpu.dma_semaphore, #tpu.memory_space<semaphore_mem>>, %arg12: memref<!tpu.dma_semaphore, #tpu.memory_space<semaphore_mem>>, %arg13: memref<!tpu.dma_semaphore, #tpu.memory_space<semaphore_mem>>, %arg14: memref<!tpu.dma_semaphore, #tpu.memory_space<semaphore_mem>>, %arg15: memref<!tpu.dma_semaphore, #tpu.memory_space<semaphore_mem>>, %arg16: memref<!tpu.dma_semaphore, #tpu.memory_space<semaphore_mem>>, %arg17: memref<!tpu.dma_semaphore, #tpu.memory_space<semaphore_mem>>) attributes {dimension_semantics = [#tpu.dimension_semantics<core_parallel>, #tpu.dimension_semantics<subcore_parallel>], iteration_bounds = array<i64: 2, 16>, scalar_prefetch = 0 : i64, scratch_operands = 13 : i64, tpu.core_type = #tpu.core_type<sc_vector_subcore>, window_params = [{transform_indices = #map}, {transform_indices = #map1}, {transform_indices = #map1}]} {
    %mul3A = arith.constant 2 : i32
    %mul3A_0 = arith.muli %arg1, %mul3A : i32
    %add3A = arith.addi %mul3A_0, %arg0 : i32
    %mul3A_1 = arith.constant 9984 : i32
    %mul3A_2 = arith.muli %add3A, %mul3A_1 : i32
    tpu.enqueue_dma source(%arg3 : memref<20480xf32, #tpu.memory_space<hbm>>) target(%arg7 : memref<20480xf32, #tpu.memory_space<vmem>>) target_semaphore(%arg10 : memref<!tpu.dma_semaphore, #tpu.memory_space<semaphore_mem>>)
    %add3A_3 = arith.constant 0 : i32
    %add3A_4 = arith.addi %mul3A_2, %add3A_3 : i32
    %dma_start3A = arith.constant 0 : i32
    %dma_start3A_5 = arith.constant 0 : i32
    %dma_start3A_6 = tpu.memref_slice %arg5[%dma_start3A, %dma_start3A_5] : memref<2x9984xi32, #tpu.memory_space<vmem>> -> memref<2x3328xi32, #tpu.memory_space<vmem>>
    %dma_start3A_7 = arith.constant 0 : i32
    %dma_start3A_8 = tpu.memref_slice %arg2[%dma_start3A_7, %add3A_4] : memref<2x320000xi32, #tpu.memory_space<hbm>> -> memref<2x3328xi32, #tpu.memory_space<hbm>>
    %dma_start3A_9 = arith.constant 0 : i32
    %dma_start3A_10 = arith.constant 0 : i32
    %dma_start3A_11 = tpu.memref_slice %arg5[%dma_start3A_9, %dma_start3A_10] : memref<2x9984xi32, #tpu.memory_space<vmem>> -> memref<2x3328xi32, #tpu.memory_space<vmem>>
    %dma_start3A_12 = arith.constant 0 : i32
    %dma_start3A_13 = tpu.memref_slice %arg2[%dma_start3A_12, %add3A_4] : memref<2x320000xi32, #tpu.memory_space<hbm>> -> memref<2x3328xi32, #tpu.memory_space<hbm>>
    tpu.enqueue_dma source(%dma_start3A_13 : memref<2x3328xi32, #tpu.memory_space<hbm>>) target(%dma_start3A_11 : memref<2x3328xi32, #tpu.memory_space<vmem>>) target_semaphore(%arg12 : memref<!tpu.dma_semaphore, #tpu.memory_space<semaphore_mem>>)
    %add3A_14 = arith.constant 3328 : i32
    %add3A_15 = arith.addi %mul3A_2, %add3A_14 : i32
    %dma_start3A_16 = arith.constant 0 : i32
    %dma_start3A_17 = arith.constant 3328 : i32
    %dma_start3A_18 = tpu.memref_slice %arg5[%dma_start3A_16, %dma_start3A_17] : memref<2x9984xi32, #tpu.memory_space<vmem>> -> memref<2x3328xi32, #tpu.memory_space<vmem>>
    %dma_start3A_19 = arith.constant 0 : i32
    %dma_start3A_20 = tpu.memref_slice %arg2[%dma_start3A_19, %add3A_15] : memref<2x320000xi32, #tpu.memory_space<hbm>> -> memref<2x3328xi32, #tpu.memory_space<hbm>>
    %dma_start3A_21 = arith.constant 0 : i32
    %dma_start3A_22 = arith.constant 3328 : i32
    %dma_start3A_23 = tpu.memref_slice %arg5[%dma_start3A_21, %dma_start3A_22] : memref<2x9984xi32, #tpu.memory_space<vmem>> -> memref<2x3328xi32, #tpu.memory_space<vmem>>
    %dma_start3A_24 = arith.constant 0 : i32
    %dma_start3A_25 = tpu.memref_slice %arg2[%dma_start3A_24, %add3A_15] : memref<2x320000xi32, #tpu.memory_space<hbm>> -> memref<2x3328xi32, #tpu.memory_space<hbm>>
    tpu.enqueue_dma source(%dma_start3A_25 : memref<2x3328xi32, #tpu.memory_space<hbm>>) target(%dma_start3A_23 : memref<2x3328xi32, #tpu.memory_space<vmem>>) target_semaphore(%arg13 : memref<!tpu.dma_semaphore, #tpu.memory_space<semaphore_mem>>)
    %add3A_26 = arith.constant 6656 : i32
    %add3A_27 = arith.addi %mul3A_2, %add3A_26 : i32
    %dma_start3A_28 = arith.constant 0 : i32
    %dma_start3A_29 = arith.constant 6656 : i32
    %dma_start3A_30 = tpu.memref_slice %arg5[%dma_start3A_28, %dma_start3A_29] : memref<2x9984xi32, #tpu.memory_space<vmem>> -> memref<2x3328xi32, #tpu.memory_space<vmem>>
    %dma_start3A_31 = arith.constant 0 : i32
    %dma_start3A_32 = tpu.memref_slice %arg2[%dma_start3A_31, %add3A_27] : memref<2x320000xi32, #tpu.memory_space<hbm>> -> memref<2x3328xi32, #tpu.memory_space<hbm>>
    %dma_start3A_33 = arith.constant 0 : i32
    %dma_start3A_34 = arith.constant 6656 : i32
    %dma_start3A_35 = tpu.memref_slice %arg5[%dma_start3A_33, %dma_start3A_34] : memref<2x9984xi32, #tpu.memory_space<vmem>> -> memref<2x3328xi32, #tpu.memory_space<vmem>>
    %dma_start3A_36 = arith.constant 0 : i32
    %dma_start3A_37 = tpu.memref_slice %arg2[%dma_start3A_36, %add3A_27] : memref<2x320000xi32, #tpu.memory_space<hbm>> -> memref<2x3328xi32, #tpu.memory_space<hbm>>
    tpu.enqueue_dma source(%dma_start3A_37 : memref<2x3328xi32, #tpu.memory_space<hbm>>) target(%dma_start3A_35 : memref<2x3328xi32, #tpu.memory_space<vmem>>) target_semaphore(%arg14 : memref<!tpu.dma_semaphore, #tpu.memory_space<semaphore_mem>>)
    %add3A_38 = arith.constant 2496 : i32
    %add3A_39 = arith.addi %add3A_38, %add3A : i32
    %mul3A_40 = arith.constant 128 : i32
    %mul3A_41 = arith.muli %add3A_39, %mul3A_40 : i32
    %lt3A = arith.constant 4 : i32
    %lt3A_42 = arith.cmpi slt, %add3A, %lt3A : i32
    %convert_element_type3A = arith.extui %lt3A_42 : i1 to i32
    %cond3A = arith.constant 0 : i32
    %cond3A_43 = arith.cmpi ne, %convert_element_type3A, %cond3A : i32
    scf.if %cond3A_43 {
      %dma_start3A_128 = arith.constant 0 : i32
      %dma_start3A_129 = tpu.memref_slice %arg2[%dma_start3A_128, %mul3A_41] : memref<2x320000xi32, #tpu.memory_space<hbm>> -> memref<2x128xi32, #tpu.memory_space<hbm>>
      %dma_start3A_130 = arith.constant 0 : i32
      %dma_start3A_131 = tpu.memref_slice %arg2[%dma_start3A_130, %mul3A_41] : memref<2x320000xi32, #tpu.memory_space<hbm>> -> memref<2x128xi32, #tpu.memory_space<hbm>>
      tpu.enqueue_dma source(%dma_start3A_131 : memref<2x128xi32, #tpu.memory_space<hbm>>) target(%arg6 : memref<2x128xi32, #tpu.memory_space<vmem>>) target_semaphore(%arg11 : memref<!tpu.dma_semaphore, #tpu.memory_space<semaphore_mem>>)
      %dma_wait3A_132 = arith.constant 0 : i32
      %dma_wait3A_133 = tpu.memref_slice %arg2[%dma_wait3A_132, %mul3A_41] : memref<2x320000xi32, #tpu.memory_space<hbm>> -> memref<2x128xi32, #tpu.memory_space<hbm>>
      %dma_wait3A_134 = arith.constant 0 : i32
      %dma_wait3A_135 = tpu.memref_slice %arg2[%dma_wait3A_134, %mul3A_41] : memref<2x320000xi32, #tpu.memory_space<hbm>> -> memref<2x128xi32, #tpu.memory_space<hbm>>
      tpu.wait_dma2 semaphore(%arg11 : memref<!tpu.dma_semaphore, #tpu.memory_space<semaphore_mem>>) src(%dma_wait3A_135 : memref<2x128xi32, #tpu.memory_space<hbm>>) dst(%arg6 : memref<2x128xi32, #tpu.memory_space<vmem>>)
    } else {
    }
    tpu.wait_dma2 semaphore(%arg10 : memref<!tpu.dma_semaphore, #tpu.memory_space<semaphore_mem>>) src(%arg3 : memref<20480xf32, #tpu.memory_space<hbm>>) dst(%arg7 : memref<20480xf32, #tpu.memory_space<vmem>>)
    %dma_wait3A = arith.constant 0 : i32
    %dma_wait3A_44 = arith.constant 0 : i32
    %dma_wait3A_45 = tpu.memref_slice %arg5[%dma_wait3A, %dma_wait3A_44] : memref<2x9984xi32, #tpu.memory_space<vmem>> -> memref<2x3328xi32, #tpu.memory_space<vmem>>
    %dma_wait3A_46 = arith.constant 0 : i32
    %dma_wait3A_47 = tpu.memref_slice %arg2[%dma_wait3A_46, %add3A_4] : memref<2x320000xi32, #tpu.memory_space<hbm>> -> memref<2x3328xi32, #tpu.memory_space<hbm>>
    %dma_wait3A_48 = arith.constant 0 : i32
    %dma_wait3A_49 = arith.constant 0 : i32
    %dma_wait3A_50 = tpu.memref_slice %arg5[%dma_wait3A_48, %dma_wait3A_49] : memref<2x9984xi32, #tpu.memory_space<vmem>> -> memref<2x3328xi32, #tpu.memory_space<vmem>>
    %dma_wait3A_51 = arith.constant 0 : i32
    %dma_wait3A_52 = tpu.memref_slice %arg2[%dma_wait3A_51, %add3A_4] : memref<2x320000xi32, #tpu.memory_space<hbm>> -> memref<2x3328xi32, #tpu.memory_space<hbm>>
    tpu.wait_dma2 semaphore(%arg12 : memref<!tpu.dma_semaphore, #tpu.memory_space<semaphore_mem>>) src(%dma_wait3A_52 : memref<2x3328xi32, #tpu.memory_space<hbm>>) dst(%dma_wait3A_50 : memref<2x3328xi32, #tpu.memory_space<vmem>>)
    %parallel_loop3A = arith.constant 0 : i32
    %parallel_loop3A_53 = arith.constant 3328 : i32
    %parallel_loop3A_54 = arith.constant 16 : i32
    scf.for %parallel_loop3A_128 = %parallel_loop3A to %parallel_loop3A_53 step %parallel_loop3A_54  : i32 {
      %parallel_loop3A_129 = arith.constant 0 : i32
      %parallel_loop3A_130 = arith.index_cast %parallel_loop3A_129 : i32 to index
      %parallel_loop3A_131 = arith.index_cast %parallel_loop3A_128 : i32 to index
      %parallel_loop3A_132 = tpu.vector_load %arg5[%parallel_loop3A_130, %parallel_loop3A_131] {strides = array<i32>} : memref<2x9984xi32, #tpu.memory_space<vmem>>, vector<16xi32>,
      %parallel_loop3A_133 = arith.constant 1 : i32
      %parallel_loop3A_134 = arith.index_cast %parallel_loop3A_133 : i32 to index
      %parallel_loop3A_135 = arith.index_cast %parallel_loop3A_128 : i32 to index
      %parallel_loop3A_136 = tpu.vector_load %arg5[%parallel_loop3A_134, %parallel_loop3A_135] {strides = array<i32>} : memref<2x9984xi32, #tpu.memory_space<vmem>>, vector<16xi32>,
      %parallel_loop3A_137 = tpu.vector_load_idx %arg7[%parallel_loop3A_132] : memref<20480xf32, #tpu.memory_space<vmem>>[vector<16xi32>], vector<16xf32>,
      %parallel_loop3A_138 = arith.constant 10240 : i32
      %parallel_loop3A_139 = vector.broadcast %parallel_loop3A_138 : i32 to vector<16xi32>
      %parallel_loop3A_140 = arith.addi %parallel_loop3A_136, %parallel_loop3A_139 : vector<16xi32>
      %parallel_loop3A_141 = tpu.vector_load_idx %arg7[%parallel_loop3A_140] : memref<20480xf32, #tpu.memory_space<vmem>>[vector<16xi32>], vector<16xf32>,
      %parallel_loop3A_142 = arith.addf %parallel_loop3A_137, %parallel_loop3A_141 : vector<16xf32>
      %parallel_loop3A_143 = arith.constant 0.000000e+00 : f32
      %parallel_loop3A_144 = vector.broadcast %parallel_loop3A_143 : f32 to vector<16xf32>
      %parallel_loop3A_145 = arith.subf %parallel_loop3A_144, %parallel_loop3A_142 : vector<16xf32>
      %parallel_loop3A_146 = math.exp %parallel_loop3A_145 : vector<16xf32>
      %parallel_loop3A_147 = arith.constant 1.000000e+00 : f32
      %parallel_loop3A_148 = vector.broadcast %parallel_loop3A_147 : f32 to vector<16xf32>
      %parallel_loop3A_149 = arith.addf %parallel_loop3A_148, %parallel_loop3A_146 : vector<16xf32>
      %parallel_loop3A_150 = arith.constant 1.000000e+00 : f32
      %parallel_loop3A_151 = vector.broadcast %parallel_loop3A_150 : f32 to vector<16xf32>
      %parallel_loop3A_152 = arith.divf %parallel_loop3A_151, %parallel_loop3A_149 : vector<16xf32>
      %parallel_loop3A_153 = arith.index_cast %parallel_loop3A_128 : i32 to index
      %parallel_loop3A_154 = tpu.vector_load %arg8[%parallel_loop3A_153] {strides = array<i32>} : memref<9984xf32, #tpu.memory_space<vmem>>, vector<16xf32>,
      tpu.vector_store %arg8[%parallel_loop3A_153], %parallel_loop3A_152 {strides = array<i32>} : memref<9984xf32, #tpu.memory_space<vmem>>, vector<16xf32>,
    } {sc.loop_unroll_factor = 8 : i64, sc.parallel_access}
    %add3A_55 = arith.constant 0 : i32
    %add3A_56 = arith.addi %mul3A_2, %add3A_55 : i32
    %dma_start3A_57 = arith.constant 0 : i32
    %dma_start3A_58 = tpu.memref_slice %arg8[%dma_start3A_57] : memref<9984xf32, #tpu.memory_space<vmem>> -> memref<3328xf32, #tpu.memory_space<vmem>>
    %dma_start3A_59 = tpu.memref_slice %arg4[%add3A_56] : memref<320000xf32, #tpu.memory_space<hbm>> -> memref<3328xf32, #tpu.memory_space<hbm>>
    %dma_start3A_60 = tpu.memref_slice %arg4[%add3A_56] : memref<320000xf32, #tpu.memory_space<hbm>> -> memref<3328xf32, #tpu.memory_space<hbm>>
    %dma_start3A_61 = arith.constant 0 : i32
    %dma_start3A_62 = tpu.memref_slice %arg8[%dma_start3A_61] : memref<9984xf32, #tpu.memory_space<vmem>> -> memref<3328xf32, #tpu.memory_space<vmem>>
    tpu.enqueue_dma source(%dma_start3A_62 : memref<3328xf32, #tpu.memory_space<vmem>>) target(%dma_start3A_60 : memref<3328xf32, #tpu.memory_space<hbm>>) target_semaphore(%arg15 : memref<!tpu.dma_semaphore, #tpu.memory_space<semaphore_mem>>)
    %dma_wait3A_63 = arith.constant 0 : i32
    %dma_wait3A_64 = arith.constant 3328 : i32
    %dma_wait3A_65 = tpu.memref_slice %arg5[%dma_wait3A_63, %dma_wait3A_64] : memref<2x9984xi32, #tpu.memory_space<vmem>> -> memref<2x3328xi32, #tpu.memory_space<vmem>>
    %dma_wait3A_66 = arith.constant 0 : i32
    %dma_wait3A_67 = tpu.memref_slice %arg2[%dma_wait3A_66, %add3A_15] : memref<2x320000xi32, #tpu.memory_space<hbm>> -> memref<2x3328xi32, #tpu.memory_space<hbm>>
    %dma_wait3A_68 = arith.constant 0 : i32
    %dma_wait3A_69 = arith.constant 3328 : i32
    %dma_wait3A_70 = tpu.memref_slice %arg5[%dma_wait3A_68, %dma_wait3A_69] : memref<2x9984xi32, #tpu.memory_space<vmem>> -> memref<2x3328xi32, #tpu.memory_space<vmem>>
    %dma_wait3A_71 = arith.constant 0 : i32
    %dma_wait3A_72 = tpu.memref_slice %arg2[%dma_wait3A_71, %add3A_15] : memref<2x320000xi32, #tpu.memory_space<hbm>> -> memref<2x3328xi32, #tpu.memory_space<hbm>>
    tpu.wait_dma2 semaphore(%arg13 : memref<!tpu.dma_semaphore, #tpu.memory_space<semaphore_mem>>) src(%dma_wait3A_72 : memref<2x3328xi32, #tpu.memory_space<hbm>>) dst(%dma_wait3A_70 : memref<2x3328xi32, #tpu.memory_space<vmem>>)
    %parallel_loop3A_73 = arith.constant 3328 : i32
    %parallel_loop3A_74 = arith.constant 6656 : i32
    %parallel_loop3A_75 = arith.constant 16 : i32
    scf.for %parallel_loop3A_128 = %parallel_loop3A_73 to %parallel_loop3A_74 step %parallel_loop3A_75  : i32 {
      %parallel_loop3A_129 = arith.constant 0 : i32
      %parallel_loop3A_130 = arith.index_cast %parallel_loop3A_129 : i32 to index
      %parallel_loop3A_131 = arith.index_cast %parallel_loop3A_128 : i32 to index
      %parallel_loop3A_132 = tpu.vector_load %arg5[%parallel_loop3A_130, %parallel_loop3A_131] {strides = array<i32>} : memref<2x9984xi32, #tpu.memory_space<vmem>>, vector<16xi32>,
      %parallel_loop3A_133 = arith.constant 1 : i32
      %parallel_loop3A_134 = arith.index_cast %parallel_loop3A_133 : i32 to index
      %parallel_loop3A_135 = arith.index_cast %parallel_loop3A_128 : i32 to index
      %parallel_loop3A_136 = tpu.vector_load %arg5[%parallel_loop3A_134, %parallel_loop3A_135] {strides = array<i32>} : memref<2x9984xi32, #tpu.memory_space<vmem>>, vector<16xi32>,
      %parallel_loop3A_137 = tpu.vector_load_idx %arg7[%parallel_loop3A_132] : memref<20480xf32, #tpu.memory_space<vmem>>[vector<16xi32>], vector<16xf32>,
      %parallel_loop3A_138 = arith.constant 10240 : i32
      %parallel_loop3A_139 = vector.broadcast %parallel_loop3A_138 : i32 to vector<16xi32>
      %parallel_loop3A_140 = arith.addi %parallel_loop3A_136, %parallel_loop3A_139 : vector<16xi32>
      %parallel_loop3A_141 = tpu.vector_load_idx %arg7[%parallel_loop3A_140] : memref<20480xf32, #tpu.memory_space<vmem>>[vector<16xi32>], vector<16xf32>,
      %parallel_loop3A_142 = arith.addf %parallel_loop3A_137, %parallel_loop3A_141 : vector<16xf32>
      %parallel_loop3A_143 = arith.constant 0.000000e+00 : f32
      %parallel_loop3A_144 = vector.broadcast %parallel_loop3A_143 : f32 to vector<16xf32>
      %parallel_loop3A_145 = arith.subf %parallel_loop3A_144, %parallel_loop3A_142 : vector<16xf32>
      %parallel_loop3A_146 = math.exp %parallel_loop3A_145 : vector<16xf32>
      %parallel_loop3A_147 = arith.constant 1.000000e+00 : f32
      %parallel_loop3A_148 = vector.broadcast %parallel_loop3A_147 : f32 to vector<16xf32>
      %parallel_loop3A_149 = arith.addf %parallel_loop3A_148, %parallel_loop3A_146 : vector<16xf32>
      %parallel_loop3A_150 = arith.constant 1.000000e+00 : f32
      %parallel_loop3A_151 = vector.broadcast %parallel_loop3A_150 : f32 to vector<16xf32>
      %parallel_loop3A_152 = arith.divf %parallel_loop3A_151, %parallel_loop3A_149 : vector<16xf32>
      %parallel_loop3A_153 = arith.index_cast %parallel_loop3A_128 : i32 to index
      %parallel_loop3A_154 = tpu.vector_load %arg8[%parallel_loop3A_153] {strides = array<i32>} : memref<9984xf32, #tpu.memory_space<vmem>>, vector<16xf32>,
      tpu.vector_store %arg8[%parallel_loop3A_153], %parallel_loop3A_152 {strides = array<i32>} : memref<9984xf32, #tpu.memory_space<vmem>>, vector<16xf32>,
    } {sc.loop_unroll_factor = 8 : i64, sc.parallel_access}
    %add3A_76 = arith.constant 3328 : i32
    %add3A_77 = arith.addi %mul3A_2, %add3A_76 : i32
    %dma_start3A_78 = arith.constant 3328 : i32
    %dma_start3A_79 = tpu.memref_slice %arg8[%dma_start3A_78] : memref<9984xf32, #tpu.memory_space<vmem>> -> memref<3328xf32, #tpu.memory_space<vmem>>
    %dma_start3A_80 = tpu.memref_slice %arg4[%add3A_77] : memref<320000xf32, #tpu.memory_space<hbm>> -> memref<3328xf32, #tpu.memory_space<hbm>>
    %dma_start3A_81 = tpu.memref_slice %arg4[%add3A_77] : memref<320000xf32, #tpu.memory_space<hbm>> -> memref<3328xf32, #tpu.memory_space<hbm>>
    %dma_start3A_82 = arith.constant 3328 : i32
    %dma_start3A_83 = tpu.memref_slice %arg8[%dma_start3A_82] : memref<9984xf32, #tpu.memory_space<vmem>> -> memref<3328xf32, #tpu.memory_space<vmem>>
    tpu.enqueue_dma source(%dma_start3A_83 : memref<3328xf32, #tpu.memory_space<vmem>>) target(%dma_start3A_81 : memref<3328xf32, #tpu.memory_space<hbm>>) target_semaphore(%arg16 : memref<!tpu.dma_semaphore, #tpu.memory_space<semaphore_mem>>)
    %dma_wait3A_84 = arith.constant 0 : i32
    %dma_wait3A_85 = arith.constant 6656 : i32
    %dma_wait3A_86 = tpu.memref_slice %arg5[%dma_wait3A_84, %dma_wait3A_85] : memref<2x9984xi32, #tpu.memory_space<vmem>> -> memref<2x3328xi32, #tpu.memory_space<vmem>>
    %dma_wait3A_87 = arith.constant 0 : i32
    %dma_wait3A_88 = tpu.memref_slice %arg2[%dma_wait3A_87, %add3A_27] : memref<2x320000xi32, #tpu.memory_space<hbm>> -> memref<2x3328xi32, #tpu.memory_space<hbm>>
    %dma_wait3A_89 = arith.constant 0 : i32
    %dma_wait3A_90 = arith.constant 6656 : i32
    %dma_wait3A_91 = tpu.memref_slice %arg5[%dma_wait3A_89, %dma_wait3A_90] : memref<2x9984xi32, #tpu.memory_space<vmem>> -> memref<2x3328xi32, #tpu.memory_space<vmem>>
    %dma_wait3A_92 = arith.constant 0 : i32
    %dma_wait3A_93 = tpu.memref_slice %arg2[%dma_wait3A_92, %add3A_27] : memref<2x320000xi32, #tpu.memory_space<hbm>> -> memref<2x3328xi32, #tpu.memory_space<hbm>>
    tpu.wait_dma2 semaphore(%arg14 : memref<!tpu.dma_semaphore, #tpu.memory_space<semaphore_mem>>) src(%dma_wait3A_93 : memref<2x3328xi32, #tpu.memory_space<hbm>>) dst(%dma_wait3A_91 : memref<2x3328xi32, #tpu.memory_space<vmem>>)
    %parallel_loop3A_94 = arith.constant 6656 : i32
    %parallel_loop3A_95 = arith.constant 9984 : i32
    %parallel_loop3A_96 = arith.constant 16 : i32
    scf.for %parallel_loop3A_128 = %parallel_loop3A_94 to %parallel_loop3A_95 step %parallel_loop3A_96  : i32 {
      %parallel_loop3A_129 = arith.constant 0 : i32
      %parallel_loop3A_130 = arith.index_cast %parallel_loop3A_129 : i32 to index
      %parallel_loop3A_131 = arith.index_cast %parallel_loop3A_128 : i32 to index
      %parallel_loop3A_132 = tpu.vector_load %arg5[%parallel_loop3A_130, %parallel_loop3A_131] {strides = array<i32>} : memref<2x9984xi32, #tpu.memory_space<vmem>>, vector<16xi32>,
      %parallel_loop3A_133 = arith.constant 1 : i32
      %parallel_loop3A_134 = arith.index_cast %parallel_loop3A_133 : i32 to index
      %parallel_loop3A_135 = arith.index_cast %parallel_loop3A_128 : i32 to index
      %parallel_loop3A_136 = tpu.vector_load %arg5[%parallel_loop3A_134, %parallel_loop3A_135] {strides = array<i32>} : memref<2x9984xi32, #tpu.memory_space<vmem>>, vector<16xi32>,
      %parallel_loop3A_137 = tpu.vector_load_idx %arg7[%parallel_loop3A_132] : memref<20480xf32, #tpu.memory_space<vmem>>[vector<16xi32>], vector<16xf32>,
      %parallel_loop3A_138 = arith.constant 10240 : i32
      %parallel_loop3A_139 = vector.broadcast %parallel_loop3A_138 : i32 to vector<16xi32>
      %parallel_loop3A_140 = arith.addi %parallel_loop3A_136, %parallel_loop3A_139 : vector<16xi32>
      %parallel_loop3A_141 = tpu.vector_load_idx %arg7[%parallel_loop3A_140] : memref<20480xf32, #tpu.memory_space<vmem>>[vector<16xi32>], vector<16xf32>,
      %parallel_loop3A_142 = arith.addf %parallel_loop3A_137, %parallel_loop3A_141 : vector<16xf32>
      %parallel_loop3A_143 = arith.constant 0.000000e+00 : f32
      %parallel_loop3A_144 = vector.broadcast %parallel_loop3A_143 : f32 to vector<16xf32>
      %parallel_loop3A_145 = arith.subf %parallel_loop3A_144, %parallel_loop3A_142 : vector<16xf32>
      %parallel_loop3A_146 = math.exp %parallel_loop3A_145 : vector<16xf32>
      %parallel_loop3A_147 = arith.constant 1.000000e+00 : f32
      %parallel_loop3A_148 = vector.broadcast %parallel_loop3A_147 : f32 to vector<16xf32>
      %parallel_loop3A_149 = arith.addf %parallel_loop3A_148, %parallel_loop3A_146 : vector<16xf32>
      %parallel_loop3A_150 = arith.constant 1.000000e+00 : f32
      %parallel_loop3A_151 = vector.broadcast %parallel_loop3A_150 : f32 to vector<16xf32>
      %parallel_loop3A_152 = arith.divf %parallel_loop3A_151, %parallel_loop3A_149 : vector<16xf32>
      %parallel_loop3A_153 = arith.index_cast %parallel_loop3A_128 : i32 to index
      %parallel_loop3A_154 = tpu.vector_load %arg8[%parallel_loop3A_153] {strides = array<i32>} : memref<9984xf32, #tpu.memory_space<vmem>>, vector<16xf32>,
      tpu.vector_store %arg8[%parallel_loop3A_153], %parallel_loop3A_152 {strides = array<i32>} : memref<9984xf32, #tpu.memory_space<vmem>>, vector<16xf32>,
    } {sc.loop_unroll_factor = 8 : i64, sc.parallel_access}
    %add3A_97 = arith.constant 6656 : i32
    %add3A_98 = arith.addi %mul3A_2, %add3A_97 : i32
    %dma_start3A_99 = arith.constant 6656 : i32
    %dma_start3A_100 = tpu.memref_slice %arg8[%dma_start3A_99] : memref<9984xf32, #tpu.memory_space<vmem>> -> memref<3328xf32, #tpu.memory_space<vmem>>
    %dma_start3A_101 = tpu.memref_slice %arg4[%add3A_98] : memref<320000xf32, #tpu.memory_space<hbm>> -> memref<3328xf32, #tpu.memory_space<hbm>>
    %dma_start3A_102 = tpu.memref_slice %arg4[%add3A_98] : memref<320000xf32, #tpu.memory_space<hbm>> -> memref<3328xf32, #tpu.memory_space<hbm>>
    %dma_start3A_103 = arith.constant 6656 : i32
    %dma_start3A_104 = tpu.memref_slice %arg8[%dma_start3A_103] : memref<9984xf32, #tpu.memory_space<vmem>> -> memref<3328xf32, #tpu.memory_space<vmem>>
    tpu.enqueue_dma source(%dma_start3A_104 : memref<3328xf32, #tpu.memory_space<vmem>>) target(%dma_start3A_102 : memref<3328xf32, #tpu.memory_space<hbm>>) target_semaphore(%arg17 : memref<!tpu.dma_semaphore, #tpu.memory_space<semaphore_mem>>)
    %lt3A_105 = arith.constant 4 : i32
    %lt3A_106 = arith.cmpi slt, %add3A, %lt3A_105 : i32
    %convert_element_type3A_107 = arith.extui %lt3A_106 : i1 to i32
    %cond3A_108 = arith.constant 0 : i32
    %cond3A_109 = arith.cmpi ne, %convert_element_type3A_107, %cond3A_108 : i32
    scf.if %cond3A_109 {
      %parallel_loop3A_128 = arith.constant 0 : i32
      %parallel_loop3A_129 = arith.constant 128 : i32
      %parallel_loop3A_130 = arith.constant 16 : i32
      scf.for %parallel_loop3A_131 = %parallel_loop3A_128 to %parallel_loop3A_129 step %parallel_loop3A_130  : i32 {
        %parallel_loop3A_132 = arith.constant 0 : i32
        %parallel_loop3A_133 = arith.index_cast %parallel_loop3A_132 : i32 to index
        %parallel_loop3A_134 = arith.index_cast %parallel_loop3A_131 : i32 to index
        %parallel_loop3A_135 = tpu.vector_load %arg6[%parallel_loop3A_133, %parallel_loop3A_134] {strides = array<i32>} : memref<2x128xi32, #tpu.memory_space<vmem>>, vector<16xi32>,
        %parallel_loop3A_136 = arith.constant 1 : i32
        %parallel_loop3A_137 = arith.index_cast %parallel_loop3A_136 : i32 to index
        %parallel_loop3A_138 = arith.index_cast %parallel_loop3A_131 : i32 to index
        %parallel_loop3A_139 = tpu.vector_load %arg6[%parallel_loop3A_137, %parallel_loop3A_138] {strides = array<i32>} : memref<2x128xi32, #tpu.memory_space<vmem>>, vector<16xi32>,
        %parallel_loop3A_140 = tpu.vector_load_idx %arg7[%parallel_loop3A_135] : memref<20480xf32, #tpu.memory_space<vmem>>[vector<16xi32>], vector<16xf32>,
        %parallel_loop3A_141 = arith.constant 10240 : i32
        %parallel_loop3A_142 = vector.broadcast %parallel_loop3A_141 : i32 to vector<16xi32>
        %parallel_loop3A_143 = arith.addi %parallel_loop3A_139, %parallel_loop3A_142 : vector<16xi32>
        %parallel_loop3A_144 = tpu.vector_load_idx %arg7[%parallel_loop3A_143] : memref<20480xf32, #tpu.memory_space<vmem>>[vector<16xi32>], vector<16xf32>,
        %parallel_loop3A_145 = arith.addf %parallel_loop3A_140, %parallel_loop3A_144 : vector<16xf32>
        %parallel_loop3A_146 = arith.constant 0.000000e+00 : f32
        %parallel_loop3A_147 = vector.broadcast %parallel_loop3A_146 : f32 to vector<16xf32>
        %parallel_loop3A_148 = arith.subf %parallel_loop3A_147, %parallel_loop3A_145 : vector<16xf32>
        %parallel_loop3A_149 = math.exp %parallel_loop3A_148 : vector<16xf32>
        %parallel_loop3A_150 = arith.constant 1.000000e+00 : f32
        %parallel_loop3A_151 = vector.broadcast %parallel_loop3A_150 : f32 to vector<16xf32>
        %parallel_loop3A_152 = arith.addf %parallel_loop3A_151, %parallel_loop3A_149 : vector<16xf32>
        %parallel_loop3A_153 = arith.constant 1.000000e+00 : f32
        %parallel_loop3A_154 = vector.broadcast %parallel_loop3A_153 : f32 to vector<16xf32>
        %parallel_loop3A_155 = arith.divf %parallel_loop3A_154, %parallel_loop3A_152 : vector<16xf32>
        %parallel_loop3A_156 = arith.index_cast %parallel_loop3A_131 : i32 to index
        %parallel_loop3A_157 = tpu.vector_load %arg9[%parallel_loop3A_156] {strides = array<i32>} : memref<128xf32, #tpu.memory_space<vmem>>, vector<16xf32>,
        tpu.vector_store %arg9[%parallel_loop3A_156], %parallel_loop3A_155 {strides = array<i32>} : memref<128xf32, #tpu.memory_space<vmem>>, vector<16xf32>,
      } {sc.loop_unroll_factor = 8 : i64, sc.parallel_access}
      "tpu.region"() ({
        %run_scoped3A = tpu.sem_alloc : memref<!tpu.dma_semaphore, #tpu.memory_space<semaphore_mem>>
        %dma_start3A_131 = tpu.memref_slice %arg4[%mul3A_41] : memref<320000xf32, #tpu.memory_space<hbm>> -> memref<128xf32, #tpu.memory_space<hbm>>
        %dma_start3A_132 = tpu.memref_slice %arg4[%mul3A_41] : memref<320000xf32, #tpu.memory_space<hbm>> -> memref<128xf32, #tpu.memory_space<hbm>>
        tpu.enqueue_dma source(%arg9 : memref<128xf32, #tpu.memory_space<vmem>>) target(%dma_start3A_132 : memref<128xf32, #tpu.memory_space<hbm>>) target_semaphore(%run_scoped3A : memref<!tpu.dma_semaphore, #tpu.memory_space<semaphore_mem>>)
        %dma_wait3A_133 = tpu.memref_slice %arg4[%mul3A_41] : memref<320000xf32, #tpu.memory_space<hbm>> -> memref<128xf32, #tpu.memory_space<hbm>>
        %dma_wait3A_134 = tpu.memref_slice %arg4[%mul3A_41] : memref<320000xf32, #tpu.memory_space<hbm>> -> memref<128xf32, #tpu.memory_space<hbm>>
        tpu.wait_dma2 semaphore(%run_scoped3A : memref<!tpu.dma_semaphore, #tpu.memory_space<semaphore_mem>>) src(%arg9 : memref<128xf32, #tpu.memory_space<vmem>>) dst(%dma_wait3A_134 : memref<128xf32, #tpu.memory_space<hbm>>)
        tpu.yield
      }) : () -> ()
    } else {
    }
    %dma_wait3A_110 = arith.constant 0 : i32
    %dma_wait3A_111 = tpu.memref_slice %arg8[%dma_wait3A_110] : memref<9984xf32, #tpu.memory_space<vmem>> -> memref<3328xf32, #tpu.memory_space<vmem>>
    %dma_wait3A_112 = tpu.memref_slice %arg4[%add3A_56] : memref<320000xf32, #tpu.memory_space<hbm>> -> memref<3328xf32, #tpu.memory_space<hbm>>
    %dma_wait3A_113 = tpu.memref_slice %arg4[%add3A_56] : memref<320000xf32, #tpu.memory_space<hbm>> -> memref<3328xf32, #tpu.memory_space<hbm>>
    %dma_wait3A_114 = arith.constant 0 : i32
    %dma_wait3A_115 = tpu.memref_slice %arg8[%dma_wait3A_114] : memref<9984xf32, #tpu.memory_space<vmem>> -> memref<3328xf32, #tpu.memory_space<vmem>>
    tpu.wait_dma2 semaphore(%arg15 : memref<!tpu.dma_semaphore, #tpu.memory_space<semaphore_mem>>) src(%dma_wait3A_115 : memref<3328xf32, #tpu.memory_space<vmem>>) dst(%dma_wait3A_113 : memref<3328xf32, #tpu.memory_space<hbm>>)
    %dma_wait3A_116 = arith.constant 3328 : i32
    %dma_wait3A_117 = tpu.memref_slice %arg8[%dma_wait3A_116] : memref<9984xf32, #tpu.memory_space<vmem>> -> memref<3328xf32, #tpu.memory_space<vmem>>
    %dma_wait3A_118 = tpu.memref_slice %arg4[%add3A_77] : memref<320000xf32, #tpu.memory_space<hbm>> -> memref<3328xf32, #tpu.memory_space<hbm>>
    %dma_wait3A_119 = tpu.memref_slice %arg4[%add3A_77] : memref<320000xf32, #tpu.memory_space<hbm>> -> memref<3328xf32, #tpu.memory_space<hbm>>
    %dma_wait3A_120 = arith.constant 3328 : i32
    %dma_wait3A_121 = tpu.memref_slice %arg8[%dma_wait3A_120] : memref<9984xf32, #tpu.memory_space<vmem>> -> memref<3328xf32, #tpu.memory_space<vmem>>
    tpu.wait_dma2 semaphore(%arg16 : memref<!tpu.dma_semaphore, #tpu.memory_space<semaphore_mem>>) src(%dma_wait3A_121 : memref<3328xf32, #tpu.memory_space<vmem>>) dst(%dma_wait3A_119 : memref<3328xf32, #tpu.memory_space<hbm>>)
    %dma_wait3A_122 = arith.constant 6656 : i32
    %dma_wait3A_123 = tpu.memref_slice %arg8[%dma_wait3A_122] : memref<9984xf32, #tpu.memory_space<vmem>> -> memref<3328xf32, #tpu.memory_space<vmem>>
    %dma_wait3A_124 = tpu.memref_slice %arg4[%add3A_98] : memref<320000xf32, #tpu.memory_space<hbm>> -> memref<3328xf32, #tpu.memory_space<hbm>>
    %dma_wait3A_125 = tpu.memref_slice %arg4[%add3A_98] : memref<320000xf32, #tpu.memory_space<hbm>> -> memref<3328xf32, #tpu.memory_space<hbm>>
    %dma_wait3A_126 = arith.constant 6656 : i32
    %dma_wait3A_127 = tpu.memref_slice %arg8[%dma_wait3A_126] : memref<9984xf32, #tpu.memory_space<vmem>> -> memref<3328xf32, #tpu.memory_space<vmem>>
    tpu.wait_dma2 semaphore(%arg17 : memref<!tpu.dma_semaphore, #tpu.memory_space<semaphore_mem>>) src(%dma_wait3A_127 : memref<3328xf32, #tpu.memory_space<vmem>>) dst(%dma_wait3A_125 : memref<3328xf32, #tpu.memory_space<hbm>>)
    return
  }
}

module attributes {stable_mosaic.version = 14 : i64} {
  func.func @_scores_body(%arg0: memref<10000x128xf32, #tpu.memory_space<vmem>>, %arg1: memref<2x128xf32, #tpu.memory_space<vmem>>, %arg2: memref<20480xf32, #tpu.memory_space<vmem>>) attributes {dimension_semantics = [], scalar_prefetch = 0 : i64, scratch_operands = 0 : i64, tpu.core_type = #tpu.core_type<tc>} {
    %get3A = arith.constant 0 : index
    %get3A_0 = arith.constant 0 : index
    %get3A_1 = vector.load %arg1[%get3A, %get3A_0] : memref<2x128xf32, #tpu.memory_space<vmem>>, vector<2x128xf32>
    %get3A_2 = arith.constant 0 : index
    %get3A_3 = arith.constant 0 : index
    %get3A_4 = vector.load %arg0[%get3A_2, %get3A_3] : memref<10000x128xf32, #tpu.memory_space<vmem>>, vector<10000x128xf32>
    %transpose3A = tpu.transpose %get3A_4, [1, 0] : vector<10000x128xf32> -> vector<128x10000xf32>
    %dot_general3A = arith.constant dense<0.000000e+00> : vector<2x10000xf32>
    %dot_general3A_5 = tpu.matmul %get3A_1, %transpose3A, %dot_general3A {dimension_numbers = #tpu.dot_dimension_numbers<[1], [0], [0], [1], [0, 0, 1, 1], [], []>, transpose_lhs_hint = false} : vector<2x128xf32>, vector<128x10000xf32>, vector<2x10000xf32> -> vector<2x10000xf32>
    %slice3A = vector.extract_strided_slice %dot_general3A_5 {offsets = [0, 0], sizes = [1, 10000], strides = [1, 1]} : vector<2x10000xf32> to vector<1x10000xf32>
    %squeeze3A = vector.shape_cast %slice3A : vector<1x10000xf32> to vector<10000xf32>
    %swap3A = arith.constant 0 : index
    %swap3A_6 = vector.load %arg2[%swap3A] : memref<20480xf32, #tpu.memory_space<vmem>>, vector<10000xf32>
    tpu.vector_store %arg2[%swap3A], %squeeze3A {strides = array<i32>} : memref<20480xf32, #tpu.memory_space<vmem>>, vector<10000xf32>,
    %slice3A_7 = vector.extract_strided_slice %dot_general3A_5 {offsets = [1, 0], sizes = [1, 10000], strides = [1, 1]} : vector<2x10000xf32> to vector<1x10000xf32>
    %squeeze3A_8 = vector.shape_cast %slice3A_7 : vector<1x10000xf32> to vector<10000xf32>
    %swap3A_9 = arith.constant 10240 : index
    %swap3A_10 = vector.load %arg2[%swap3A_9] : memref<20480xf32, #tpu.memory_space<vmem>>, vector<10000xf32>
    tpu.vector_store %arg2[%swap3A_9], %squeeze3A_8 {strides = array<i32>} : memref<20480xf32, #tpu.memory_space<vmem>>, vector<10000xf32>,
    return
  }
}

</mosaic_0001>

<sc_bundles>
// kernel: kernel.4.cloned.1.call-start
scs
__scs_entry_jumppad:
0x0: {  	(pc) =	sbr.rel $0x88, $3  }
0x1: {  	(tag) =	ssettag $0x0;
	lr =	simm.s32 $0x1  }
0x2: {  	[smem:$0x3F9E] =	sst lr;
	_ =	strace $0xD0000000  }
0x3: {  	_ = 	snop  }
0x4: {  	_ = 	snop  }
0x5: {  	_ = 	snop  }
0x6: {  	_ = 	snop  }
0x7: {  	_ = 	snop  }
__scs_overlays_trampoline_lowered:
0x8: {  	[smem:$0x3FAD] =	sst s0  }
0x9: {  	[smem:$0x3FAE] =	sst s1  }
0xa: {  	[smem:$0x3FAF] =	sst s2  }
0xb: {  	[smem:$0x3FB0] =	sst s3  }
0xc: {  	[smem:$0x3FB1] =	sst s4  }
0xd: {  	[smem:$0x3FB2] =	sst s5  }
0xe: {  	[smem:$0x3FB3] =	sst s6  }
0xf: {  	[smem:$0x3FB4] =	sst s7  }
0x10: {  	[smem:$0x3FB5] =	sst s8  }
0x11: {  	[smem:$0x3FB6] =	sst s9;
	s0 =	simm.s32 @!p0 $0x0  }
0x12: {  	s1 =	sld [smem:$0x3F9C];
	s0 =	simm.s32 @p0 $0x1  }
0x13: {  	[smem:$0x3FB7] =	sst s0;
	s0 =	simm.s32 @!p1 $0x0  }
0x14: {  	s2 =	sld [smem:$0x3F9B];
	s0 =	simm.s32 @p1 $0x1  }
0x15: {  	[smem:$0x3FB8] =	sst s0;
	s0 =	simm.s32 @!p2 $0x0  }
0x16: {  	s3 =	sld [smem:$0x3FDB];
	s0 =	simm.s32 @p2 $0x1  }
0x17: {  	s4 =	simm.s32 $0x1BF5;
	[smem:$0x3FBA] =	sst s0  }
0x18: {  	s0 =	sld [smem:$0x3F9D];
	_ =	swait.ge [sflag:s4], $0x0  }
0x19: {  	s7 =	sld [smem:$0x3F9E]  }
0x1a: {  	s8 =	sadd.s32 $0xFFFFE003, lr  }
0x1b: {  	s9 =	sadd.s32 $0xFFFFFEF7, lr;
	s5 =	simm.s32 $0xFFFFFFFF;
	p2 =	slt.u32 s8, $0xFFFFF086  }
0x1c: {  	p1 =	slt.u32 s9, $0xF7A;
	s5 =	simm.s32 @!p2 $0x0  }
0x1d: {  	s5 =	simm.s32 @p1 $0x1;
	p0 =	seq.s32 s7, s2  }
0x1e: {  	s7 =	smul.u32 @!p0 $0xF7A, s2;
	p2 =	seq.s32 @!p0 s5, $0x0  }
0x1f: {  	s9 =	smul.u32 $0xF7A, s1;
	s8 =	simm.s32 @!p0 $0x1BF5;
	p2 =	por !p2, p0  }
0x20: {  	[sflag:s8] =	ssyncset.s32 @!p0 $0xFFFFF086;
	s6 =	sadd.s32 @!p0 s3, s7;
	s7 =	simm.s32 @!p0 $0x108  }
0x21: {  	s3 =	sadd.s32 s3, s9;
	s6 =	sadd.s32 @!p0 $0x88, s6;
	s7 =	simm.s32 @p2 $0x1082  }
0x22: {  	[simem:s7], [sflag:s8] =	dma.local @!p0 [hbm:s6], $0xF7A  }
0x23: {  	s9 =	sor.u32 $0xD0000000, s2;
	s6 =	simm.s32 $0x108;
	_ =	swait.ge @!p0 [sflag:s8], $0x0  }
0x24: {  	s3 =	sadd.s32 $0x88, s3;
	s6 =	simm.s32 @!p1 $0x1082;
	[sflag:s4] =	ssyncset.s32 $0xFFFFF086  }
0x25: {  	[simem:s6], [sflag:s4] =	dma.local [hbm:s3], $0xF7A  }
0x26: {  	[smem:$0x3F9E] =	sst s1;
	(tag) =	ssettag s2;
	_ =	strace s9  }
0x27: {  	s1 =	sld [smem:$0x3FAE]  }
0x28: {  	s2 =	sld [smem:$0x3FAF]  }
0x29: {  	s4 =	sld [smem:$0x3FB1]  }
0x2a: {  	p0 =	seq.s32 s5, $0x0;
	s5 =	sld [smem:$0x3FB2]  }
0x2b: {  	s6 =	sld [smem:$0x3FB3]  }
0x2c: {  	s7 =	sld [smem:$0x3FB4]  }
0x2d: {  	s3 =	simm.s32 $0x108;
	s8 =	sld [smem:$0x3FB5]  }
0x2e: {  	s3 =	simm.s32 @!p0 $0x1082;
	s9 =	sld [smem:$0x3FB6]  }
0x2f: {  	lr =	sadd.s32 s0, s3;
	s0 =	sld [smem:$0x3FAD]  }
0x30: {  	s3 =	sld [smem:$0x3FB0]  }
0x31: {  	[smem:$0x3FB9] =	sst s10  }
0x32: {  	s10 =	sld [smem:$0x3FB7];
	_ =	sdelay $0x3  }
0x33: {  	p0 =	seq.s32 s10, $0x1;
	s10 =	sld [smem:$0x3FB9];
	_ =	sdelay $0x3  }
0x34: {  	[smem:$0x3FB9] =	sst s10  }
0x35: {  	s10 =	sld [smem:$0x3FB8];
	_ =	sdelay $0x3  }
0x36: {  	p1 =	seq.s32 s10, $0x1;
	s10 =	sld [smem:$0x3FB9];
	_ =	sdelay $0x3  }
0x37: {  	[smem:$0x3FB9] =	sst s10  }
0x38: {  	s10 =	sld [smem:$0x3FBA]  }
0x39: {  	_ = 	snop;
	(pc) =	sbr.ind lr, $3  }
0x3a: {  	_ = 	snop  }
0x3b: {  	_ = 	snop  }
0x3c: {  	p2 =	seq.s32 s10, $0x1;
	s10 =	sld [smem:$0x3FB9]  }
0x3d: {  	_ =	shalt  }
0x3e: {  	_ =	shalt  }
0x3f: {  	_ =	shalt  }
0x40: {  	_ =	shalt  }
0x41: {  	_ =	shalt  }
0x42: {  	_ =	shalt  }
0x43: {  	_ =	shalt  }
0x44: {  	_ =	shalt  }
0x45: {  	_ =	shalt  }
0x46: {  	_ =	shalt  }
0x47: {  	_ =	shalt  }
0x48: {  	_ =	shalt  }
0x49: {  	_ =	shalt  }
0x4a: {  	_ =	shalt  }
0x4b: {  	_ =	shalt  }
0x4c: {  	_ =	shalt  }
0x4d: {  	_ =	shalt  }
0x4e: {  	_ =	shalt  }
0x4f: {  	_ =	shalt  }
0x50: {  	_ =	shalt  }
0x51: {  	_ =	shalt  }
0x52: {  	_ =	shalt  }
0x53: {  	_ =	shalt  }
0x54: {  	_ =	shalt  }
0x55: {  	_ =	shalt  }
0x56: {  	_ =	shalt  }
0x57: {  	_ =	shalt  }
0x58: {  	_ =	shalt  }
0x59: {  	_ =	shalt  }
0x5a: {  	_ =	shalt  }
0x5b: {  	_ =	shalt  }
0x5c: {  	_ =	shalt  }
0x5d: {  	_ =	shalt  }
0x5e: {  	_ =	shalt  }
0x5f: {  	_ =	shalt  }
0x60: {  	_ =	shalt  }
0x61: {  	_ =	shalt  }
0x62: {  	_ =	shalt  }
0x63: {  	_ =	shalt  }
0x64: {  	_ =	shalt  }
0x65: {  	_ =	shalt  }
0x66: {  	_ =	shalt  }
0x67: {  	_ =	shalt  }
0x68: {  	_ =	shalt  }
0x69: {  	_ =	shalt  }
0x6a: {  	_ =	shalt  }
0x6b: {  	_ =	shalt  }
0x6c: {  	_ =	shalt  }
0x6d: {  	_ =	shalt  }
0x6e: {  	_ =	shalt  }
0x6f: {  	_ =	shalt  }
0x70: {  	_ =	shalt  }
0x71: {  	_ =	shalt  }
0x72: {  	_ =	shalt  }
0x73: {  	_ =	shalt  }
0x74: {  	_ =	shalt  }
0x75: {  	_ =	shalt  }
0x76: {  	_ =	shalt  }
0x77: {  	_ =	shalt  }
0x78: {  	_ =	shalt  }
0x79: {  	_ =	shalt  }
0x7a: {  	_ =	shalt  }
0x7b: {  	_ =	shalt  }
0x7c: {  	_ =	shalt  }
0x7d: {  	_ =	shalt  }
0x7e: {  	_ =	shalt  }
0x7f: {  	_ =	shalt  }
0x80: {  	_ =	shalt  }
0x81: {  	_ =	shalt  }
0x82: {  	_ =	shalt  }
0x83: {  	_ =	shalt  }
0x84: {  	_ =	shalt  }
0x85: {  	_ =	shalt  }
0x86: {  	_ =	shalt  }
0x87: {  	_ =	shalt  }
.Lfunc_end0:
.L_simem_size_0:
called_computation_lowered:
.L_overlay_start_0:
0x88: {  	s2 =	sld [smem:$0x3FD9]  }
0x89: {  	s3 =	sld [smem:$0x3FFE];
	_ =	sdelay $0x1  }
0x8a: {  	s1 =	srdreg.scid  }
0x8b: {  	s0 =	sand.u32 $0x1, s1  }
0x8c: {  	s17 =	sshll.u32 s0, $0xA;
	s2 =	sadd.s32 s3, s2  }
0x8d: {  	s2 =	sadd.s32 s2, s17  }
0x8e: {  	[smem:$0x3FC5] =	sst s2  }
0x8f: {  	_ = 	snop  }
0x90: {  	s2 =	sld [smem:$0x3FC9]  }
0x91: {  	s18 =	sld [smem:$0x3FD0];
	(tm) =	ssettm $0x1  }
0x92: {  	s4 =	sld [smem:$0x3FFB];
	_ =	sdelay $0x3  }
0x93: {  	_ =	strace s4  }
0x94: {  	s4 =	sld [smem:$0x3FFC];
	_ =	sdelay $0x3  }
0x95: {  	_ =	strace s4  }
0x96: {  	s4 =	sld [smem:$0x3FFD];
	_ =	sdelay $0x3  }
0x97: {  	_ =	strace s4  }
0x98: {  	_ =	strace $0x8FFFFFFF  }
0x99: {  	s19 =	sld [smem:$0x3FDB];
	_ =	sdelay $0x1  }
0x9a: {  	s5 =	simm.s32 $_scs_section_size  }
0x9b: {  	s6 =	simm.s32 $_size__tile_overlayer_lowered;
	s7 =	simm.s32 $_tile_overlayer_lowered  }
0x9c: {  	s22 =	simm.s32 $0x1BFF;
	s21 =	sshll.u32 s7, $0x1;
	s4 =	sadd.s32 s5, s19  }
0x9d: {  	s8 =	simm.s32 $0x0;
	s20 =	sshll.u32 s6, $0x1;
	s6 =	sadd.s32 s21, s4  }
0x9e: {  	[timem:s8], [sflag:s22] =	dma.local [hbm:s6], s20  }
0x9f: {  	_ =	swait.ge [sflag:s22], s20  }
0xa0: {  	s5 =	ssub.s32 $0x0, s20;
	[sflag:s22] =	ssyncset.done $0x0  }
0xa1: {  	[sflag:s22] =	ssyncadd.s32 s5;
	_ =	sdelay $0x1  }
0xa2: {  	s23 =	simm.s32 $0x1B8B  }
0xa3: {  	_ =	swait.ge [sflag:s23], $0x1  }
0xa4: {  	[sflag:s23] =	ssyncset.done $0x0  }
0xa5: {  	s25 =	simm.s32 $0x1B8E;
	s24 =	sld [smem:$0x3FFE];
	[sflag:s23] =	ssyncadd.s32 $0xFFFFFFFF  }
0xa6: {  	s26 =	simm.s32 $execute0_lowered;
	[smem:$0x3FD2] =	sst s25  }
0xa7: {  	s6 =	sshll.u32 s26, $0x1;
	_ =	strace $0x80000046;
	[dreg:$0x1] =	wrdreg $0xFFFFFFFF  }
0xa8: {  	s28 =	simm.s32 $_size_execute0_lowered;
	s4 =	sadd.s32 s4, s6;
	[dreg:$0x0] =	wrdreg $0x0  }
0xa9: {  	s6 =	sshll.u32 s28, $0x1;
	[dreg:$0x2] =	wrdreg s4  }
0xaa: {  	[dreg:$0x3] =	wrdreg s6  }
0xab: {  	[dreg:$0x4] =	wrdreg $0xC0  }
0xac: {  	_ =	task [dreg:s8], $0x5FFFF  }
0xad: {  	[dreg:$0x1] =	wrdreg $0xFFFFFFFF  }
0xae: {  	[dreg:$0x0] =	wrdreg $0x60  }
0xaf: {  	[dreg:$0x2] =	wrdreg s2  }
0xb0: {  	[dreg:$0x3] =	wrdreg s18  }
0xb1: {  	[dreg:$0x4] =	wrdreg s24  }
0xb2: {  	[dreg:$0x5] =	wrdreg $0x9  }
0xb3: {  	_ =	task.clear_ibuf [dreg:s8], $0x6FFFF;
	_ =	strace $0x90000046  }
0xb4: {  	s29 =	simm.s32 $0x9;
	_ =	strace $0x80000048  }
0xb5: {  	_ =	swait.ge [sflag:s29], $0x1  }
0xb6: {  	[sflag:s29] =	ssyncadd.s32 $0xFFFFFFFF  }
0xb7: {  	_ =	strace $0x90000048  }
0xb8: {  	_ =	sfence  }
0xb9: {  	s30 =	sld [smem:$0x0];
	_ =	sdelay $0x2  }
0xba: {  	s31 =	sshll.u32 s1, $0xD;
	s1 =	sshrl.u32 s1, $0x2  }
0xbb: {  	s3 =	sand.u32 $0x4000, s31;
	s1 =	sadd.s32 s1, s30  }
0xbc: {  	s0 =	sor.u32 s3, s0;
	s1 =	sshll.u32 s1, $0x11  }
0xbd: {  	s0 =	sor.u32 s1, s0  }
0xbe: {  	s0 =	sadd.s32 $0x8F2B, s0  }
0xbf: {  	[sflag:s0] =	ssyncadd.remote.s32 $0x1  }
0xc0: {  	_ =	sfence.sel $0xFFFF  }
0xc1: {  	[dreg:$0x0] =	wrdreg $0xFFFFFFFF;
	(pc) =	sbr.abs _section_cstart, $3  }
0xc2: {  	[dreg:$0x1] =	wrdreg $0xFFFFFFFF  }
0xc3: {  	_ =	task.clear_ibuf [dreg:s8], $0x2FFFF;
	_ =	strace $0x9FFFFFFF  }
0xc4: {  	(tm) =	ssettm $0x7FFFFFFF  }
0xc5: {  	_ =	shalt  }
tec
execute0_lowered:
.L_overlay_start_1:
0x0: {  	(tag) =	ssettag $0x1  }
0x1: {  	s1 =	rddreg [dreg:$0x0]  }
0x2: {  	s2 =	rddreg [dreg:$0x1]  }
0x3: {  	s3 =	srdreg.scid;
	s0 =	stileid.u32  }
0x4: {  	s4 =	rddreg [dreg:$0x2];
	s15 =	simm.s32 $0x3400;
	s16 =	simm.s32 $0x1  }
0x5: {  	s17 =	simm.s32 $0x3;
	s18 =	simm.s32 $0x9F00;
	s19 =	simm.s32 $0x4  }
0x6: {  	s20 =	simm.s32 $0xAC00;
	s21 =	simm.s32 $0x5;
	s22 =	simm.s32 $0xB900  }
0x7: {  	s28 =	simm.s32 $0x8;
	s29 =	simm.s32 $0x0;
	s5 =	sand.u32 $0x1, s3  }
0x8: {  	s6 =	sshll.u32 s0, $0x1;
	s3 =	simm.s32 $0x0;
	s11 =	sadd.s32 $0xA00, s4  }
0x9: {  	p0 =	sgt.u32 s0, $0x1;
	s6 =	sor.u32 s5, s6;
	[smem:$0x7FF] =	sst s3  }
0xa: {  	s5 =	ssub.s32 $0x2, s5;
	s7 =	smul.u32 $0x2700, s6;
	_ =	strace $0x80000047  }
0xb: {  	s8 =	sshrl.u32 s5, $0x1;
	s9 =	smul.u32 $0x9C0, s6;
	s6 =	sshll.u32 s6, $0x7  }
0xc: {  	s12 =	ssub.s32 s5, s8;
	s13 =	sor.u32 $0x4E000, s6;
	s10 =	sadd.s32 $0xD00, s7  }
0xd: {  	s4 =	sadd.s32 s1, s9;
	s24 =	sadd.s32 $0x1A00, s7;
	s26 =	sshrl.u32 s13, $0x2  }
0xe: {  	s14 =	sshrl.u32 s7, $0x3;
	s13 =	sshrl.u32 s13, $0x3;
	s12 =	smax.u32 s12, $0x1  }
0xf: {  	s23 =	sshrl.u32 s10, $0x2;
	s25 =	sshrl.u32 s24, $0x2;
	s7 =	sadd.s32 s1, s26  }
.Ltmp0:
0x10: {  	s8 =	sadd.s32 s11, s14;
	s30 =	sshrl.u32 s10, $0x3;
	(pc) =	sbr.rel .LBB2_1-.Ltmp0, $4  }
0x11: {  	s31 =	sshrl.u32 s24, $0x3;
	s14 =	simm.s32 $0x1A00;
	s24 =	simm.s32 $0x9  }
0x12: {  	s26 =	simm.s32 $0x7;
	s5 =	sadd.s32 s1, s23;
	s6 =	sadd.s32 s1, s25  }
0x13: {  	s9 =	sadd.s32 s11, s30;
	s10 =	sadd.s32 s11, s31;
	s11 =	sadd.s32 s11, s13  }
0x14: {  	s13 =	simm.s32 $0x4F00;
	s23 =	simm.s32 $0xC600;
	s25 =	simm.s32 $0x6  }
.LBB2_9:
0x15: {  	_ =	swait.ge [sflag:s25], $0xD00  }
0x16: {  	[sflag:s25] =	ssyncset.done $0x0  }
0x17: {  	s29 =	sadd.s32 $0x1, s29;
	[sflag:s25] =	ssyncadd.s32 $0xFFFFF300  }
0x18: {  	p1 =	sne.s32 s29, s12;
	_ =	swait.ge [sflag:s26], $0xD00  }
.Ltmp1:
0x19: {  	[sflag:s26] =	ssyncset.done $0x0;
	(pc) =	sbr.rel @!p1 .LBB2_10-.Ltmp1, $4  }
0x1a: {  	[sflag:s26] =	ssyncadd.s32 $0xFFFFF300  }
0x1b: {  	_ =	swait.ge [sflag:s28], $0xD00  }
0x1c: {  	[sflag:s28] =	ssyncset.done $0x0  }
0x1d: {  	[sflag:s28] =	ssyncadd.s32 $0xFFFFF300  }
.LBB2_1:
0x1e: {  	[tilespmem:s13], [sflag:$0x1] =	stream.linear.gather [hbm4b:s2+s3], $0x5000, $0x38;
	[tilespmem:$0xC680] =	vst v63  }
0x1f: {  	_ = 	snop  }
0x20: {  	[tilespmem:s3], [sflag:$0x3] =	stream.linear.gather [hbm4b:s4+s3], $0x1A00, $0x38;
	[tilespmem:$0xC680] =	vst v63  }
0x21: {  	_ = 	snop  }
0x22: {  	[tilespmem:s14], [sflag:$0x4] =	stream.linear.gather [hbm4b:s5+s3], $0x1A00, $0x38;
	[tilespmem:$0xC680] =	vst v63  }
0x23: {  	_ = 	snop  }
0x24: {  	[tilespmem:s15], [sflag:$0x5] =	stream.linear.gather [hbm4b:s6+s3], $0x1A00, $0x38;
	[tilespmem:$0xC680] =	vst v63  }
0x25: {  	s1 =	simm.s32 @!p0 $0x0;
	s30 =	simm.s32 @!p0 $0x4E00  }
0x26: {  	[tilespmem:s30], [sflag:$0x2] =	stream.linear.gather @!p0 [hbm4b:s7+s1], $0x100, $0x38;
	[tilespmem:$0xC680] =	vst v63  }
0x27: {  	s1 =	simm.s32 @!p0 $0x2  }
0x28: {  	_ =	swait.ge @!p0 [sflag:s1], $0x100  }
0x29: {  	[sflag:s1] =	ssyncset.done @!p0 $0x0  }
0x2a: {  	[sflag:s1] =	ssyncadd.s32 @!p0 $0xFFFFFF00  }
0x2b: {  	_ =	swait.ge [sflag:s16], $0x5000  }
0x2c: {  	[sflag:s16] =	ssyncset.done $0x0  }
0x2d: {  	[sflag:s16] =	ssyncadd.s32 $0xFFFFB000  }
0x2e: {  	_ =	swait.ge [sflag:s17], $0x1A00  }
0x2f: {  	[sflag:s17] =	ssyncset.done $0x0  }
0x30: {  	s1 =	simm.s32 $0x80;
	[sflag:s17] =	ssyncadd.s32 $0xFFFFE600  }
0x31: {  	v0 =	vld [tilespmem:s1+$0x70]  }
0x32: {  	v1 =	vld [tilespmem:s1+$0xFFFFFFF0]  }
0x33: {  	v2 =	vld [tilespmem:s1+$0x0]  }
0x34: {  	v3 =	vld [tilespmem:s1+$0x10]  }
0x35: {  	v4 =	vld [tilespmem:s1+$0x20]  }
0x36: {  	v5 =	vld [tilespmem:s1+$0x30]  }
0x37: {  	v6 =	vld [tilespmem:s1+$0x40]  }
0x38: {  	v7 =	vld [tilespmem:s1+$0x50]  }
0x39: {  	v8 =	vld [tilespmem:s1+$0x60]  }
0x3a: {  	v9 =	vld [tilespmem:s1+$0xFFFFFF90]  }
0x3b: {  	v10 =	vld [tilespmem:s1+$0xFFFFFFA0];
	v0 =	vadd.s32 $0x2800, v0  }
0x3c: {  	v11 =	vld [tilespmem:s1+$0xFFFFFFB0]  }
0x3d: {  	v12 =	vld [tilespmem:s1+$0xFFFFFFC0]  }
0x3e: {  	v13 =	vld [tilespmem:s1+$0xFFFFFFD0]  }
0x3f: {  	v2 =	vadd.s32 $0x2800, v2;
	v1 =	vld.idx.msk [tilespmem:v1+s13+$0x0], $0xffff  }
0x40: {  	v3 =	vadd.s32 $0x2800, v3;
	v0 =	vld.idx.msk [tilespmem:v0+s13+$0x0], $0xffff  }
0x41: {  	v14 =	vld [tilespmem:s1+$0xFFFFFFE0];
	v4 =	vadd.s32 $0x2800, v4  }
0x42: {  	v15 =	vld [tilespmem:s1+$0xFFFFFF80];
	v5 =	vadd.s32 $0x2800, v5  }
0x43: {  	v6 =	vadd.s32 $0x2800, v6;
	v9 =	vld.idx.msk [tilespmem:v9+s13+$0x0], $0xffff  }
0x44: {  	v7 =	vadd.s32 $0x2800, v7;
	v2 =	vld.idx.msk [tilespmem:v2+s13+$0x0], $0xffff  }
0x45: {  	v8 =	vadd.s32 $0x2800, v8;
	v3 =	vld.idx.msk [tilespmem:v3+s13+$0x0], $0xffff;
	v0 =	vadd.f32 v0, v1  }
0x46: {  	v4 =	vld.idx.msk [tilespmem:v4+s13+$0x0], $0xffff  }
0x47: {  	v1 =	vld.idx.msk [tilespmem:v5+s13+$0x0], $0xffff;
	v0 =	vsub.f32 $0.0e+00, v0  }
0x48: {  	v5 =	vld.idx.msk [tilespmem:v6+s13+$0x0], $0xffff  }
0x49: {  	v6 =	vld.idx.msk [tilespmem:v7+s13+$0x0], $0xffff;
	v0 =	vmul.f32 $1.442695020e+00, v0  }
0x4a: {  	v7 =	vld.idx.msk [tilespmem:v8+s13+$0x0], $0xffff  }
0x4b: {  	v8 =	vld.idx.msk [tilespmem:v15+s13+$0x0], $0xffff;
	(erf) = vpow2.f32 v0  }
0x4c: {  	v0 =	vld.idx.msk [tilespmem:v10+s13+$0x0], $0xffff  }
0x4d: {  	v10 =	vld.idx.msk [tilespmem:v11+s13+$0x0], $0xffff  }
0x4e: {  	v11 =	vld.idx.msk [tilespmem:v12+s13+$0x0], $0xffff  }
0x4f: {  	v12 =	vld.idx.msk [tilespmem:v13+s13+$0x0], $0xffff  }
0x50: {  	s1 =	simm.s32 $0x180;
	v13 =	vld.idx.msk [tilespmem:v14+s13+$0x0], $0xffff  }
0x51: {  	v14 =	vld [tilespmem:s1+$0x70]  }
0x52: {  	v15 =	vld [tilespmem:s1+$0xFFFFFFF0];
	v2 =	vadd.f32 v2, v8  }
0x53: {  	v3 =	vadd.f32 v3, v9  }
0x54: {  	v2 =	vsub.f32 $0.0e+00, v2;
	v16 =	vpop (erf)  }
0x55: {  	v3 =	vsub.f32 $0.0e+00, v3;
	v16 =	vadd.f32 $1.000000000e+00, v16  }
0x56: {  	v17 =	vld [tilespmem:s1+$0x20];
	v2 =	vmul.f32 $1.442695020e+00, v2;
	v14 =	vadd.s32 $0x2800, v14  }
0x57: {  	v18 =	vld [tilespmem:s1+$0x30];
	v3 =	vmul.f32 $1.442695020e+00, v3;
	v0 =	vadd.f32 v4, v0;
	(erf) = vrcp.f32 v16  }
0x58: {  	v19 =	vld [tilespmem:s1+$0x40];
	v1 =	vadd.f32 v1, v10;
	(erf) = vpow2.f32 v2  }
0x59: {  	v60 =	vld [tilespmem:s1+$0xFFFFFFD0];
	v0 =	vsub.f32 $0.0e+00, v0;
	(erf) = vpow2.f32 v3;
	v3 =	vadd.f32 v5, v11  }
0x5a: {  	v10 =	vld.idx.msk [tilespmem:v15+s13+$0x0], $0xffff;
	v7 =	vadd.f32 v7, v13;
	v1 =	vsub.f32 $0.0e+00, v1  }
0x5b: {  	v0 =	vmul.f32 $1.442695020e+00, v0;
	v5 =	vadd.f32 v6, v12;
	v6 =	vld.idx.msk [tilespmem:v14+s13+$0x0], $0xffff;
	v3 =	vsub.f32 $0.0e+00, v3  }
0x5c: {  	v4 =	vld [tilespmem:s1+$0x50];
	v7 =	vsub.f32 $0.0e+00, v7;
	v1 =	vmul.f32 $1.442695020e+00, v1  }
0x5d: {  	v2 =	vld [tilespmem:s1+$0x60];
	(erf) = vpow2.f32 v0;
	v5 =	vsub.f32 $0.0e+00, v5;
	v3 =	vmul.f32 $1.442695020e+00, v3  }
0x5e: {  	v8 =	vld [tilespmem:s1+$0x0];
	(erf) = vpow2.f32 v1  }
0x5f: {  	v62 =	vld [tilespmem:s1+$0xFFFFFFE0];
	v7 =	vmul.f32 $1.442695020e+00, v7;
	v5 =	vmul.f32 $1.442695020e+00, v5  }
0x60: {  	v9 =	vld [tilespmem:s1+$0x10];
	v0 =	vadd.s32 $0x2800, v18;
	v1 =	vadd.f32 v6, v10;
	(erf) = vpow2.f32 v3;
	v61 =	vpop (erf)  }
0x61: {  	v63 =	vld [tilespmem:s1+$0xFFFFFF80];
	v6 =	vadd.s32 $0x2800, v19;
	v10 =	vadd.s32 $0x2800, v4;
	v3 =	vpop (erf);
	(erf) = vpow2.f32 v5  }
0x62: {  	v13 =	vld [tilespmem:s1+$0xFFFFFFB0];
	v4 =	vadd.f32 $1.000000000e+00, v3;
	v3 =	vpop (erf);
	(erf) = vpow2.f32 v7;
	v7 =	vadd.s32 $0x2800, v2  }
0x63: {  	v8 =	vadd.s32 $0x2800, v8;
	v11 =	vld [tilespmem:s1+$0xFFFFFF90]  }
0x64: {  	v12 =	vld [tilespmem:s1+$0xFFFFFFA0];
	v2 =	vadd.f32 $1.000000000e+00, v3  }
0x65: {  	v9 =	vadd.s32 $0x2800, v9;
	(erf) = vrcp.f32 v4;
	v4 =	vld.idx.msk [tilespmem:v0+s13+$0x0], $0xffff  }
0x66: {  	v1 =	vsub.f32 $0.0e+00, v1;
	(erf) = vrcp.f32 v2;
	v2 =	vld.idx.msk [tilespmem:v6+s13+$0x0], $0xffff;
	v6 =	vpop (erf)  }
0x67: {  	v6 =	vadd.f32 $1.000000000e+00, v6;
	v0 =	vld.idx.msk [tilespmem:v7+s13+$0x0], $0xffff;
	v7 =	vpop (erf)  }
0x68: {  	v15 =	vadd.s32 $0x2800, v17;
	v20 =	vld.idx.msk [tilespmem:v8+s13+$0x0], $0xffff;
	v1 =	vmul.f32 $1.442695020e+00, v1;
	v7 =	vadd.f32 $1.000000000e+00, v7  }
0x69: {  	v14 =	vld [tilespmem:s1+$0xFFFFFFC0]  }
0x6a: {  	v5 =	vld.idx.msk [tilespmem:v9+s13+$0x0], $0xffff;
	(erf) = vpow2.f32 v1;
	v8 =	vpop (erf)  }
0x6b: {  	v11 =	vld.idx.msk [tilespmem:v11+s13+$0x0], $0xffff;
	(erf) = vrcp.f32 v6;
	v8 =	vadd.f32 $1.000000000e+00, v8;
	v6 =	vpop (erf)  }
0x6c: {  	v9 =	vld.idx.msk [tilespmem:v12+s13+$0x0], $0xffff;
	(erf) = vrcp.f32 v7;
	v6 =	vadd.f32 $1.000000000e+00, v6;
	v7 =	vpop (erf)  }
0x6d: {  	v3 =	vld.idx.msk [tilespmem:v15+s13+$0x0], $0xffff;
	(erf) = vrcp.f32 v8;
	v7 =	vadd.f32 $1.000000000e+00, v7  }
0x6e: {  	v15 =	vld.idx.msk [tilespmem:v63+s13+$0x0], $0xffff;
	(erf) = vrcp.f32 v6  }
0x6f: {  	v1 =	vld.idx.msk [tilespmem:v10+s13+$0x0], $0xffff;
	(erf) = vrcp.f32 v7  }
0x70: {  	s30 =	simm.s32 $0x9F40;
	v10 =	vld.idx.msk [tilespmem:v13+s13+$0x0], $0xffff  }
0x71: {  	[tilespmem:s30+$0x30] =	vst v61;
	v8 =	vld.idx.msk [tilespmem:v14+s13+$0x0], $0xffff;
	v12 =	vpop (erf)  }
0x72: {  	v6 =	vld.idx.msk [tilespmem:v60+s13+$0x0], $0xffff;
	[tilespmem:s30+$0xFFFFFFC0] =	vst v12;
	v14 =	vpop (erf)  }
0x73: {  	s31 =	simm.s32 $0x80;
	s1 =	simm.s32 $0x280;
	v12 =	vadd.f32 v20, v15;
	v7 =	vld.idx.msk [tilespmem:v62+s13+$0x0], $0xffff;
	v13 =	vpop (erf);
	[tilespmem:s30+$0xFFFFFFD0] =	vst v14  }
.LBB2_2:
0x74: {  	v14 =	vld [tilespmem:s1+$0x70];
	s31 =	sadd.s32 $0x80, s31;
	v5 =	vadd.f32 v5, v11;
	v11 =	vadd.f32 $1.000000000e+00, v13;
	v13 =	vpop (erf)  }
0x75: {  	v3 =	vadd.f32 v3, v9;
	v15 =	vld [tilespmem:s1+$0xFFFFFFF0];
	p1 =	slt.u32 s31, $0xC80;
	v12 =	vsub.f32 $0.0e+00, v12;
	[tilespmem:s30+$0xFFFFFFE0] =	vst v13;
	v9 =	vpop (erf)  }
0x76: {  	v4 =	vadd.f32 v4, v10;
	v13 =	vld [tilespmem:s1+$0x0];
	v5 =	vsub.f32 $0.0e+00, v5;
	(erf) = vrcp.f32 v11;
	[tilespmem:s30+$0xFFFFFFF0] =	vst v9;
	v9 =	vpop (erf)  }
0x77: {  	v3 =	vsub.f32 $0.0e+00, v3;
	v2 =	vadd.f32 v2, v8;
	v10 =	vld [tilespmem:s1+$0x10];
	v11 =	vmul.f32 $1.442695020e+00, v12;
	[tilespmem:s30+$0x0] =	vst v9;
	v8 =	vpop (erf)  }
0x78: {  	v4 =	vsub.f32 $0.0e+00, v4;
	v1 =	vadd.f32 v1, v6;
	v9 =	vld [tilespmem:s1+$0x20];
	v5 =	vmul.f32 $1.442695020e+00, v5;
	[tilespmem:s30+$0x10] =	vst v8;
	v6 =	vpop (erf)  }
0x79: {  	v2 =	vsub.f32 $0.0e+00, v2;
	v0 =	vadd.f32 v0, v7;
	v8 =	vld [tilespmem:s1+$0x30];
	v12 =	vadd.s32 $0x2800, v14;
	[tilespmem:s30+$0x20] =	vst v6  }
0x7a: {  	v3 =	vmul.f32 $1.442695020e+00, v3;
	v4 =	vmul.f32 $1.442695020e+00, v4;
	v1 =	vsub.f32 $0.0e+00, v1;
	v6 =	vld [tilespmem:s1+$0x40]  }
0x7b: {  	v2 =	vmul.f32 $1.442695020e+00, v2;
	v0 =	vsub.f32 $0.0e+00, v0;
	v7 =	vadd.s32 $0x2800, v13;
	v13 =	vld [tilespmem:s1+$0x50]  }
0x7c: {  	v1 =	vmul.f32 $1.442695020e+00, v1;
	v10 =	vadd.s32 $0x2800, v10;
	v14 =	vld [tilespmem:s1+$0x60];
	(erf) = vpow2.f32 v11  }
0x7d: {  	v0 =	vmul.f32 $1.442695020e+00, v0;
	v9 =	vadd.s32 $0x2800, v9;
	v11 =	vld.idx.msk [tilespmem:v15+s13+$0x0], $0xffff;
	(erf) = vpow2.f32 v5  }
0x7e: {  	v8 =	vadd.s32 $0x2800, v8;
	v5 =	vld.idx.msk [tilespmem:v12+s13+$0x0], $0xffff;
	(erf) = vpow2.f32 v3  }
0x7f: {  	s30 =	sadd.s32 $0x80, s30;
	v12 =	vld [tilespmem:s1+$0xFFFFFF90];
	v6 =	vadd.s32 $0x2800, v6;
	(erf) = vpow2.f32 v4;
	v3 =	vpop (erf)  }
0x80: {  	v15 =	vld [tilespmem:s1+$0xFFFFFFA0];
	v13 =	vadd.s32 $0x2800, v13;
	[tilespmem:s30+$0x30] =	vst v3;
	(erf) = vpow2.f32 v2  }
0x81: {  	v16 =	vld [tilespmem:s1+$0xFFFFFFB0];
	v14 =	vadd.s32 $0x2800, v14;
	(erf) = vpow2.f32 v1  }
0x82: {  	v17 =	vld [tilespmem:s1+$0xFFFFFFC0];
	(erf) = vpow2.f32 v0  }
0x83: {  	v18 =	vld [tilespmem:s1+$0xFFFFFFD0]  }
0x84: {  	v0 =	vadd.f32 v5, v11;
	v19 =	vld [tilespmem:s1+$0xFFFFFFE0]  }
0x85: {  	v11 =	vld [tilespmem:s1+$0xFFFFFF80];
	v1 =	vpop (erf)  }
0x86: {  	v0 =	vsub.f32 $0.0e+00, v0;
	v7 =	vld.idx.msk [tilespmem:v7+s13+$0x0], $0xffff;
	v20 =	vadd.f32 $1.000000000e+00, v1;
	v2 =	vpop (erf)  }
0x87: {  	v5 =	vld.idx.msk [tilespmem:v10+s13+$0x0], $0xffff;
	v2 =	vadd.f32 $1.000000000e+00, v2;
	v4 =	vpop (erf)  }
0x88: {  	v10 =	vmul.f32 $1.442695020e+00, v0;
	v3 =	vld.idx.msk [tilespmem:v9+s13+$0x0], $0xffff;
	v21 =	vadd.f32 $1.000000000e+00, v4;
	(erf) = vrcp.f32 v20;
	v1 =	vpop (erf)  }
0x89: {  	v4 =	vld.idx.msk [tilespmem:v8+s13+$0x0], $0xffff;
	v8 =	vadd.f32 $1.000000000e+00, v1;
	(erf) = vrcp.f32 v2;
	v1 =	vpop (erf)  }
0x8a: {  	v2 =	vld.idx.msk [tilespmem:v6+s13+$0x0], $0xffff;
	(erf) = vpow2.f32 v10;
	v6 =	vadd.f32 $1.000000000e+00, v1;
	v0 =	vpop (erf)  }
0x8b: {  	v1 =	vld.idx.msk [tilespmem:v13+s13+$0x0], $0xffff;
	v10 =	vadd.f32 $1.000000000e+00, v0;
	(erf) = vrcp.f32 v21;
	v9 =	vpop (erf)  }
0x8c: {  	v0 =	vld.idx.msk [tilespmem:v14+s13+$0x0], $0xffff;
	v13 =	vadd.f32 $1.000000000e+00, v9;
	(erf) = vrcp.f32 v8  }
0x8d: {  	v14 =	vld.idx.msk [tilespmem:v11+s13+$0x0], $0xffff;
	(erf) = vrcp.f32 v6  }
0x8e: {  	v11 =	vld.idx.msk [tilespmem:v12+s13+$0x0], $0xffff;
	(erf) = vrcp.f32 v10  }
.Ltmp2:
0x8f: {  	v9 =	vld.idx.msk [tilespmem:v15+s13+$0x0], $0xffff;
	(erf) = vrcp.f32 v13;
	(pc) =	sbr.rel @p1 .LBB2_2-.Ltmp2, $4  }
0x90: {  	v10 =	vld.idx.msk [tilespmem:v16+s13+$0x0], $0xffff  }
0x91: {  	v8 =	vld.idx.msk [tilespmem:v17+s13+$0x0], $0xffff;
	v12 =	vpop (erf)  }
0x92: {  	v6 =	vld.idx.msk [tilespmem:v18+s13+$0x0], $0xffff;
	[tilespmem:s30+$0xFFFFFFC0] =	vst v12;
	v15 =	vpop (erf)  }
0x93: {  	s1 =	sadd.s32 $0x100, s1;
	v12 =	vadd.f32 v7, v14;
	v7 =	vld.idx.msk [tilespmem:v19+s13+$0x0], $0xffff;
	v13 =	vpop (erf);
	[tilespmem:s30+$0xFFFFFFD0] =	vst v15  }
0x94: {  	v5 =	vadd.f32 v5, v11;
	v11 =	vadd.f32 $1.000000000e+00, v13  }
0x95: {  	v3 =	vadd.f32 v3, v9;
	v12 =	vsub.f32 $0.0e+00, v12  }
0x96: {  	v4 =	vadd.f32 v4, v10;
	v5 =	vsub.f32 $0.0e+00, v5;
	(erf) = vrcp.f32 v11  }
0x97: {  	v2 =	vadd.f32 v2, v8;
	v3 =	vsub.f32 $0.0e+00, v3;
	v8 =	vmul.f32 $1.442695020e+00, v12  }
0x98: {  	v4 =	vsub.f32 $0.0e+00, v4;
	v1 =	vadd.f32 v1, v6;
	v5 =	vmul.f32 $1.442695020e+00, v5  }
0x99: {  	v2 =	vsub.f32 $0.0e+00, v2;
	v0 =	vadd.f32 v0, v7;
	v3 =	vmul.f32 $1.442695020e+00, v3  }
0x9a: {  	(erf) = vpow2.f32 v8;
	v4 =	vmul.f32 $1.442695020e+00, v4;
	v1 =	vsub.f32 $0.0e+00, v1  }
0x9b: {  	(erf) = vpow2.f32 v5;
	v2 =	vmul.f32 $1.442695020e+00, v2;
	v0 =	vsub.f32 $0.0e+00, v0  }
0x9c: {  	v1 =	vmul.f32 $1.442695020e+00, v1  }
0x9d: {  	(erf) = vpow2.f32 v3;
	v3 =	vpop (erf);
	v0 =	vmul.f32 $1.442695020e+00, v0  }
0x9e: {  	(erf) = vpow2.f32 v4;
	v4 =	vpop (erf)  }
0x9f: {  	(erf) = vpow2.f32 v2;
	v2 =	vpop (erf)  }
0xa0: {  	(erf) = vpow2.f32 v1;
	v1 =	vpop (erf)  }
0xa1: {  	(erf) = vpow2.f32 v0;
	v0 =	vpop (erf)  }
0xa2: {  	v5 =	vpop (erf)  }
0xa3: {  	v6 =	vpop (erf)  }
0xa4: {  	v6 =	vadd.f32 $1.000000000e+00, v6;
	v7 =	vpop (erf)  }
0xa5: {  	v7 =	vadd.f32 $1.000000000e+00, v7;
	_ =	sdelay $0x1  }
0xa6: {  	v8 =	vpop (erf)  }
0xa7: {  	v8 =	vadd.f32 $1.000000000e+00, v8;
	(erf) = vrcp.f32 v6;
	v6 =	vpop (erf)  }
0xa8: {  	(erf) = vrcp.f32 v7;
	v6 =	vadd.f32 $1.000000000e+00, v6;
	v7 =	vpop (erf)  }
0xa9: {  	v7 =	vadd.f32 $1.000000000e+00, v7;
	v9 =	vpop (erf);
	(erf) = vrcp.f32 v8  }
0xaa: {  	v8 =	vadd.f32 $1.000000000e+00, v9;
	v9 =	vpop (erf);
	(erf) = vrcp.f32 v6  }
0xab: {  	[tilespmem:s30+$0xFFFFFFE0] =	vst v3;
	v3 =	vadd.f32 $1.000000000e+00, v9;
	(erf) = vrcp.f32 v7  }
0xac: {  	[tilespmem:s30+$0xFFFFFFF0] =	vst v4;
	(erf) = vrcp.f32 v8  }
0xad: {  	[tilespmem:s30+$0x0] =	vst v2;
	(erf) = vrcp.f32 v3  }
0xae: {  	[tilespmem:s30+$0x10] =	vst v1  }
0xaf: {  	s1 =	sadd.s32 $0x80, s30;
	[tilespmem:s30+$0x20] =	vst v0  }
0xb0: {  	[tilespmem:s1+$0x30] =	vst v5;
	v0 =	vpop (erf)  }
0xb1: {  	[tilespmem:s1+$0xFFFFFFC0] =	vst v0;
	v0 =	vpop (erf)  }
0xb2: {  	[tilespmem:s1+$0xFFFFFFD0] =	vst v0;
	v0 =	vpop (erf)  }
0xb3: {  	[tilespmem:s1+$0xFFFFFFE0] =	vst v0;
	v0 =	vpop (erf)  }
0xb4: {  	[tilespmem:s1+$0xFFFFFFF0] =	vst v0;
	v0 =	vpop (erf)  }
0xb5: {  	[tilespmem:s1+$0x0] =	vst v0;
	v0 =	vpop (erf)  }
0xb6: {  	[tilespmem:s1+$0x10] =	vst v0;
	v0 =	vpop (erf)  }
0xb7: {  	[tilespmem:s1+$0x20] =	vst v0  }
0xb8: {  	[hbm4b:s8+s3] =	stream.linear.scatter [tilespmem:s18], [sflag:$0x6], $0xD00, $0x38;
	[tilespmem:$0xC680] =	vst v63  }
0xb9: {  	_ =	swait.ge [sflag:s19], $0x1A00  }
0xba: {  	[sflag:s19] =	ssyncset.done $0x0  }
0xbb: {  	s1 =	simm.s32 $0x1AF0;
	[sflag:s19] =	ssyncadd.s32 $0xFFFFE600  }
0xbc: {  	v0 =	vld [tilespmem:s1+$0x0]  }
0xbd: {  	v1 =	vld [tilespmem:s1+$0xFFFFFF80]  }
0xbe: {  	v2 =	vld [tilespmem:s1+$0xFFFFFF90]  }
0xbf: {  	v3 =	vld [tilespmem:s1+$0xFFFFFFA0]  }
0xc0: {  	v4 =	vld [tilespmem:s1+$0xFFFFFFB0]  }
0xc1: {  	v5 =	vld [tilespmem:s1+$0xFFFFFFC0]  }
0xc2: {  	v6 =	vld [tilespmem:s1+$0xFFFFFFD0]  }
0xc3: {  	v7 =	vld [tilespmem:s1+$0xFFFFFFE0]  }
0xc4: {  	v8 =	vld [tilespmem:s1+$0xFFFFFFF0]  }
0xc5: {  	v9 =	vld [tilespmem:s1+$0xFFFFFF20]  }
0xc6: {  	v10 =	vld [tilespmem:s1+$0xFFFFFF30];
	v0 =	vadd.s32 $0x2800, v0  }
0xc7: {  	v11 =	vld [tilespmem:s1+$0xFFFFFF40]  }
0xc8: {  	v12 =	vld [tilespmem:s1+$0xFFFFFF50]  }
0xc9: {  	v13 =	vld [tilespmem:s1+$0xFFFFFF60]  }
0xca: {  	v2 =	vadd.s32 $0x2800, v2;
	v1 =	vld.idx.msk [tilespmem:v1+s13+$0x0], $0xffff  }
0xcb: {  	v3 =	vadd.s32 $0x2800, v3;
	v0 =	vld.idx.msk [tilespmem:v0+s13+$0x0], $0xffff  }
0xcc: {  	v14 =	vld [tilespmem:s1+$0xFFFFFF70];
	v4 =	vadd.s32 $0x2800, v4  }
0xcd: {  	v15 =	vld [tilespmem:s1+$0xFFFFFF10];
	v5 =	vadd.s32 $0x2800, v5  }
0xce: {  	v6 =	vadd.s32 $0x2800, v6;
	v9 =	vld.idx.msk [tilespmem:v9+s13+$0x0], $0xffff  }
0xcf: {  	v7 =	vadd.s32 $0x2800, v7;
	v2 =	vld.idx.msk [tilespmem:v2+s13+$0x0], $0xffff  }
0xd0: {  	v8 =	vadd.s32 $0x2800, v8;
	v3 =	vld.idx.msk [tilespmem:v3+s13+$0x0], $0xffff;
	v0 =	vadd.f32 v0, v1  }
0xd1: {  	v4 =	vld.idx.msk [tilespmem:v4+s13+$0x0], $0xffff  }
0xd2: {  	v1 =	vld.idx.msk [tilespmem:v5+s13+$0x0], $0xffff;
	v0 =	vsub.f32 $0.0e+00, v0  }
0xd3: {  	v5 =	vld.idx.msk [tilespmem:v6+s13+$0x0], $0xffff  }
0xd4: {  	v6 =	vld.idx.msk [tilespmem:v7+s13+$0x0], $0xffff;
	v0 =	vmul.f32 $1.442695020e+00, v0  }
0xd5: {  	v7 =	vld.idx.msk [tilespmem:v8+s13+$0x0], $0xffff  }
0xd6: {  	v8 =	vld.idx.msk [tilespmem:v15+s13+$0x0], $0xffff;
	(erf) = vpow2.f32 v0  }
0xd7: {  	v0 =	vld.idx.msk [tilespmem:v10+s13+$0x0], $0xffff  }
0xd8: {  	v10 =	vld.idx.msk [tilespmem:v11+s13+$0x0], $0xffff  }
0xd9: {  	v11 =	vld.idx.msk [tilespmem:v12+s13+$0x0], $0xffff  }
0xda: {  	v12 =	vld.idx.msk [tilespmem:v13+s13+$0x0], $0xffff  }
0xdb: {  	s1 =	simm.s32 $0x1BF0;
	v13 =	vld.idx.msk [tilespmem:v14+s13+$0x0], $0xffff  }
0xdc: {  	v14 =	vld [tilespmem:s1+$0x0]  }
0xdd: {  	v15 =	vld [tilespmem:s1+$0xFFFFFF80];
	v2 =	vadd.f32 v2, v8  }
0xde: {  	v3 =	vadd.f32 v3, v9  }
0xdf: {  	v2 =	vsub.f32 $0.0e+00, v2;
	v16 =	vpop (erf)  }
0xe0: {  	v17 =	vld [tilespmem:s1+$0xFFFFFFB0];
	v3 =	vsub.f32 $0.0e+00, v3;
	v16 =	vadd.f32 $1.000000000e+00, v16  }
0xe1: {  	v18 =	vld [tilespmem:s1+$0xFFFFFFC0];
	v2 =	vmul.f32 $1.442695020e+00, v2;
	v14 =	vadd.s32 $0x2800, v14;
	v0 =	vadd.f32 v4, v0  }
0xe2: {  	v19 =	vld [tilespmem:s1+$0xFFFFFFD0];
	v3 =	vmul.f32 $1.442695020e+00, v3;
	v1 =	vadd.f32 v1, v10;
	(erf) = vrcp.f32 v16  }
0xe3: {  	v60 =	vld [tilespmem:s1+$0xFFFFFF60];
	v0 =	vsub.f32 $0.0e+00, v0;
	(erf) = vpow2.f32 v2  }
0xe4: {  	v8 =	vld [tilespmem:s1+$0xFFFFFF90];
	v1 =	vsub.f32 $0.0e+00, v1;
	(erf) = vpow2.f32 v3;
	v3 =	vadd.f32 v5, v11  }
0xe5: {  	v10 =	vld.idx.msk [tilespmem:v15+s13+$0x0], $0xffff;
	v0 =	vmul.f32 $1.442695020e+00, v0;
	v5 =	vadd.f32 v6, v12  }
0xe6: {  	v7 =	vadd.f32 v7, v13;
	v1 =	vmul.f32 $1.442695020e+00, v1;
	v6 =	vld.idx.msk [tilespmem:v14+s13+$0x0], $0xffff;
	v3 =	vsub.f32 $0.0e+00, v3  }
0xe7: {  	v2 =	vld [tilespmem:s1+$0xFFFFFFF0];
	(erf) = vpow2.f32 v0;
	v5 =	vsub.f32 $0.0e+00, v5  }
0xe8: {  	v4 =	vld [tilespmem:s1+$0xFFFFFFE0];
	v7 =	vsub.f32 $0.0e+00, v7;
	(erf) = vpow2.f32 v1;
	v3 =	vmul.f32 $1.442695020e+00, v3  }
0xe9: {  	v62 =	vld [tilespmem:s1+$0xFFFFFF70];
	v5 =	vmul.f32 $1.442695020e+00, v5  }
0xea: {  	v9 =	vld [tilespmem:s1+$0xFFFFFFA0];
	v7 =	vmul.f32 $1.442695020e+00, v7;
	v0 =	vadd.s32 $0x2800, v18;
	(erf) = vpow2.f32 v3  }
0xeb: {  	v63 =	vld [tilespmem:s1+$0xFFFFFF10];
	v1 =	vadd.f32 v6, v10;
	v6 =	vadd.s32 $0x2800, v19;
	v61 =	vpop (erf);
	(erf) = vpow2.f32 v5  }
0xec: {  	v13 =	vld [tilespmem:s1+$0xFFFFFF40];
	v3 =	vpop (erf);
	(erf) = vpow2.f32 v7;
	v7 =	vadd.s32 $0x2800, v2  }
0xed: {  	v8 =	vadd.s32 $0x2800, v8;
	v11 =	vld [tilespmem:s1+$0xFFFFFF20];
	v10 =	vadd.s32 $0x2800, v4;
	v4 =	vadd.f32 $1.000000000e+00, v3;
	v3 =	vpop (erf)  }
0xee: {  	v12 =	vld [tilespmem:s1+$0xFFFFFF30];
	v2 =	vadd.f32 $1.000000000e+00, v3  }
0xef: {  	v9 =	vadd.s32 $0x2800, v9;
	(erf) = vrcp.f32 v4;
	v4 =	vld.idx.msk [tilespmem:v0+s13+$0x0], $0xffff  }
0xf0: {  	v1 =	vsub.f32 $0.0e+00, v1;
	(erf) = vrcp.f32 v2;
	v2 =	vld.idx.msk [tilespmem:v6+s13+$0x0], $0xffff;
	v6 =	vpop (erf)  }
0xf1: {  	v0 =	vld.idx.msk [tilespmem:v7+s13+$0x0], $0xffff;
	v6 =	vadd.f32 $1.000000000e+00, v6;
	v7 =	vpop (erf)  }
0xf2: {  	v15 =	vadd.s32 $0x2800, v17;
	v20 =	vld.idx.msk [tilespmem:v8+s13+$0x0], $0xffff;
	v1 =	vmul.f32 $1.442695020e+00, v1;
	v7 =	vadd.f32 $1.000000000e+00, v7  }
0xf3: {  	v14 =	vld [tilespmem:s1+$0xFFFFFF50]  }
0xf4: {  	v5 =	vld.idx.msk [tilespmem:v9+s13+$0x0], $0xffff;
	(erf) = vpow2.f32 v1;
	v8 =	vpop (erf)  }
0xf5: {  	v11 =	vld.idx.msk [tilespmem:v11+s13+$0x0], $0xffff;
	(erf) = vrcp.f32 v6;
	v8 =	vadd.f32 $1.000000000e+00, v8;
	v6 =	vpop (erf)  }
0xf6: {  	v9 =	vld.idx.msk [tilespmem:v12+s13+$0x0], $0xffff;
	(erf) = vrcp.f32 v7;
	v6 =	vadd.f32 $1.000000000e+00, v6;
	v7 =	vpop (erf)  }
0xf7: {  	v3 =	vld.idx.msk [tilespmem:v15+s13+$0x0], $0xffff;
	(erf) = vrcp.f32 v8;
	v7 =	vadd.f32 $1.000000000e+00, v7  }
0xf8: {  	v15 =	vld.idx.msk [tilespmem:v63+s13+$0x0], $0xffff;
	(erf) = vrcp.f32 v6  }
0xf9: {  	v1 =	vld.idx.msk [tilespmem:v10+s13+$0x0], $0xffff;
	(erf) = vrcp.f32 v7  }
0xfa: {  	s30 =	simm.s32 $0xAC70;
	v10 =	vld.idx.msk [tilespmem:v13+s13+$0x0], $0xffff  }
0xfb: {  	[tilespmem:s30+$0x0] =	vst v61;
	v8 =	vld.idx.msk [tilespmem:v14+s13+$0x0], $0xffff;
	v12 =	vpop (erf)  }
0xfc: {  	v6 =	vld.idx.msk [tilespmem:v60+s13+$0x0], $0xffff;
	[tilespmem:s30+$0xFFFFFF90] =	vst v12;
	v14 =	vpop (erf)  }
0xfd: {  	s31 =	simm.s32 $0xD80;
	s1 =	simm.s32 $0x1CF0;
	v12 =	vadd.f32 v20, v15;
	v7 =	vld.idx.msk [tilespmem:v62+s13+$0x0], $0xffff;
	v13 =	vpop (erf);
	[tilespmem:s30+$0xFFFFFFA0] =	vst v14  }
.LBB2_4:
0xfe: {  	v14 =	vld [tilespmem:s1+$0x0];
	s31 =	sadd.s32 $0x80, s31;
	v5 =	vadd.f32 v5, v11;
	v11 =	vadd.f32 $1.000000000e+00, v13;
	v13 =	vpop (erf)  }
0xff: {  	v3 =	vadd.f32 v3, v9;
	v15 =	vld [tilespmem:s1+$0xFFFFFF80];
	p1 =	slt.u32 s31, $0x1980;
	v12 =	vsub.f32 $0.0e+00, v12;
	[tilespmem:s30+$0xFFFFFFB0] =	vst v13;
	v9 =	vpop (erf)  }
0x100: {  	v4 =	vadd.f32 v4, v10;
	v13 =	vld [tilespmem:s1+$0xFFFFFF90];
	v5 =	vsub.f32 $0.0e+00, v5;
	(erf) = vrcp.f32 v11;
	[tilespmem:s30+$0xFFFFFFC0] =	vst v9;
	v9 =	vpop (erf)  }
0x101: {  	v3 =	vsub.f32 $0.0e+00, v3;
	v2 =	vadd.f32 v2, v8;
	v10 =	vld [tilespmem:s1+$0xFFFFFFA0];
	v11 =	vmul.f32 $1.442695020e+00, v12;
	[tilespmem:s30+$0xFFFFFFD0] =	vst v9;
	v8 =	vpop (erf)  }
0x102: {  	v4 =	vsub.f32 $0.0e+00, v4;
	v1 =	vadd.f32 v1, v6;
	v9 =	vld [tilespmem:s1+$0xFFFFFFB0];
	v5 =	vmul.f32 $1.442695020e+00, v5;
	[tilespmem:s30+$0xFFFFFFE0] =	vst v8;
	v6 =	vpop (erf)  }
0x103: {  	v2 =	vsub.f32 $0.0e+00, v2;
	v0 =	vadd.f32 v0, v7;
	v8 =	vld [tilespmem:s1+$0xFFFFFFC0];
	v12 =	vadd.s32 $0x2800, v14;
	[tilespmem:s30+$0xFFFFFFF0] =	vst v6  }
0x104: {  	v3 =	vmul.f32 $1.442695020e+00, v3;
	v4 =	vmul.f32 $1.442695020e+00, v4;
	v1 =	vsub.f32 $0.0e+00, v1;
	v6 =	vld [tilespmem:s1+$0xFFFFFFD0]  }
0x105: {  	v2 =	vmul.f32 $1.442695020e+00, v2;
	v0 =	vsub.f32 $0.0e+00, v0;
	v7 =	vadd.s32 $0x2800, v13;
	v13 =	vld [tilespmem:s1+$0xFFFFFFE0]  }
0x106: {  	v1 =	vmul.f32 $1.442695020e+00, v1;
	v10 =	vadd.s32 $0x2800, v10;
	v14 =	vld [tilespmem:s1+$0xFFFFFFF0];
	(erf) = vpow2.f32 v11  }
0x107: {  	v0 =	vmul.f32 $1.442695020e+00, v0;
	v9 =	vadd.s32 $0x2800, v9;
	v11 =	vld.idx.msk [tilespmem:v15+s13+$0x0], $0xffff;
	(erf) = vpow2.f32 v5  }
0x108: {  	v8 =	vadd.s32 $0x2800, v8;
	v5 =	vld.idx.msk [tilespmem:v12+s13+$0x0], $0xffff;
	(erf) = vpow2.f32 v3  }
0x109: {  	s30 =	sadd.s32 $0x80, s30;
	v12 =	vld [tilespmem:s1+$0xFFFFFF20];
	v6 =	vadd.s32 $0x2800, v6;
	(erf) = vpow2.f32 v4;
	v3 =	vpop (erf)  }
0x10a: {  	v15 =	vld [tilespmem:s1+$0xFFFFFF30];
	v13 =	vadd.s32 $0x2800, v13;
	[tilespmem:s30+$0x0] =	vst v3;
	(erf) = vpow2.f32 v2  }
0x10b: {  	v16 =	vld [tilespmem:s1+$0xFFFFFF40];
	v14 =	vadd.s32 $0x2800, v14;
	(erf) = vpow2.f32 v1  }
0x10c: {  	v17 =	vld [tilespmem:s1+$0xFFFFFF50];
	(erf) = vpow2.f32 v0  }
0x10d: {  	v18 =	vld [tilespmem:s1+$0xFFFFFF60]  }
0x10e: {  	v0 =	vadd.f32 v5, v11;
	v19 =	vld [tilespmem:s1+$0xFFFFFF70]  }
0x10f: {  	v11 =	vld [tilespmem:s1+$0xFFFFFF10];
	v1 =	vpop (erf)  }
0x110: {  	v0 =	vsub.f32 $0.0e+00, v0;
	v7 =	vld.idx.msk [tilespmem:v7+s13+$0x0], $0xffff;
	v20 =	vadd.f32 $1.000000000e+00, v1;
	v2 =	vpop (erf)  }
0x111: {  	v5 =	vld.idx.msk [tilespmem:v10+s13+$0x0], $0xffff;
	v2 =	vadd.f32 $1.000000000e+00, v2;
	v4 =	vpop (erf)  }
0x112: {  	v10 =	vmul.f32 $1.442695020e+00, v0;
	v3 =	vld.idx.msk [tilespmem:v9+s13+$0x0], $0xffff;
	v21 =	vadd.f32 $1.000000000e+00, v4;
	(erf) = vrcp.f32 v20;
	v1 =	vpop (erf)  }
0x113: {  	v4 =	vld.idx.msk [tilespmem:v8+s13+$0x0], $0xffff;
	v8 =	vadd.f32 $1.000000000e+00, v1;
	(erf) = vrcp.f32 v2;
	v1 =	vpop (erf)  }
0x114: {  	v2 =	vld.idx.msk [tilespmem:v6+s13+$0x0], $0xffff;
	(erf) = vpow2.f32 v10;
	v6 =	vadd.f32 $1.000000000e+00, v1;
	v0 =	vpop (erf)  }
0x115: {  	v1 =	vld.idx.msk [tilespmem:v13+s13+$0x0], $0xffff;
	v10 =	vadd.f32 $1.000000000e+00, v0;
	(erf) = vrcp.f32 v21;
	v9 =	vpop (erf)  }
0x116: {  	v0 =	vld.idx.msk [tilespmem:v14+s13+$0x0], $0xffff;
	v13 =	vadd.f32 $1.000000000e+00, v9;
	(erf) = vrcp.f32 v8  }
0x117: {  	v14 =	vld.idx.msk [tilespmem:v11+s13+$0x0], $0xffff;
	(erf) = vrcp.f32 v6  }
0x118: {  	v11 =	vld.idx.msk [tilespmem:v12+s13+$0x0], $0xffff;
	(erf) = vrcp.f32 v10  }
.Ltmp3:
0x119: {  	v9 =	vld.idx.msk [tilespmem:v15+s13+$0x0], $0xffff;
	(erf) = vrcp.f32 v13;
	(pc) =	sbr.rel @p1 .LBB2_4-.Ltmp3, $4  }
0x11a: {  	v10 =	vld.idx.msk [tilespmem:v16+s13+$0x0], $0xffff  }
0x11b: {  	v8 =	vld.idx.msk [tilespmem:v17+s13+$0x0], $0xffff;
	v12 =	vpop (erf)  }
0x11c: {  	v6 =	vld.idx.msk [tilespmem:v18+s13+$0x0], $0xffff;
	[tilespmem:s30+$0xFFFFFF90] =	vst v12;
	v15 =	vpop (erf)  }
0x11d: {  	s1 =	sadd.s32 $0x100, s1;
	v12 =	vadd.f32 v7, v14;
	v7 =	vld.idx.msk [tilespmem:v19+s13+$0x0], $0xffff;
	v13 =	vpop (erf);
	[tilespmem:s30+$0xFFFFFFA0] =	vst v15  }
0x11e: {  	v5 =	vadd.f32 v5, v11;
	v11 =	vadd.f32 $1.000000000e+00, v13  }
0x11f: {  	v3 =	vadd.f32 v3, v9;
	v12 =	vsub.f32 $0.0e+00, v12  }
0x120: {  	v4 =	vadd.f32 v4, v10;
	v5 =	vsub.f32 $0.0e+00, v5;
	(erf) = vrcp.f32 v11  }
0x121: {  	v2 =	vadd.f32 v2, v8;
	v3 =	vsub.f32 $0.0e+00, v3;
	v8 =	vmul.f32 $1.442695020e+00, v12  }
0x122: {  	v4 =	vsub.f32 $0.0e+00, v4;
	v1 =	vadd.f32 v1, v6;
	v5 =	vmul.f32 $1.442695020e+00, v5  }
0x123: {  	v2 =	vsub.f32 $0.0e+00, v2;
	v0 =	vadd.f32 v0, v7;
	v3 =	vmul.f32 $1.442695020e+00, v3  }
0x124: {  	(erf) = vpow2.f32 v8;
	v4 =	vmul.f32 $1.442695020e+00, v4;
	v1 =	vsub.f32 $0.0e+00, v1  }
0x125: {  	(erf) = vpow2.f32 v5;
	v2 =	vmul.f32 $1.442695020e+00, v2;
	v0 =	vsub.f32 $0.0e+00, v0  }
0x126: {  	v1 =	vmul.f32 $1.442695020e+00, v1  }
0x127: {  	(erf) = vpow2.f32 v3;
	v3 =	vpop (erf);
	v0 =	vmul.f32 $1.442695020e+00, v0  }
0x128: {  	(erf) = vpow2.f32 v4;
	v4 =	vpop (erf)  }
0x129: {  	(erf) = vpow2.f32 v2;
	v2 =	vpop (erf)  }
0x12a: {  	(erf) = vpow2.f32 v1;
	v1 =	vpop (erf)  }
0x12b: {  	(erf) = vpow2.f32 v0;
	v0 =	vpop (erf)  }
0x12c: {  	v5 =	vpop (erf)  }
0x12d: {  	v6 =	vpop (erf)  }
0x12e: {  	v6 =	vadd.f32 $1.000000000e+00, v6;
	v7 =	vpop (erf)  }
0x12f: {  	v7 =	vadd.f32 $1.000000000e+00, v7;
	_ =	sdelay $0x1  }
0x130: {  	v8 =	vpop (erf)  }
0x131: {  	v8 =	vadd.f32 $1.000000000e+00, v8;
	(erf) = vrcp.f32 v6;
	v6 =	vpop (erf)  }
0x132: {  	(erf) = vrcp.f32 v7;
	v6 =	vadd.f32 $1.000000000e+00, v6;
	v7 =	vpop (erf)  }
0x133: {  	v7 =	vadd.f32 $1.000000000e+00, v7;
	v9 =	vpop (erf);
	(erf) = vrcp.f32 v8  }
0x134: {  	v8 =	vadd.f32 $1.000000000e+00, v9;
	v9 =	vpop (erf);
	(erf) = vrcp.f32 v6  }
0x135: {  	[tilespmem:s30+$0xFFFFFFB0] =	vst v3;
	v3 =	vadd.f32 $1.000000000e+00, v9;
	(erf) = vrcp.f32 v7  }
0x136: {  	[tilespmem:s30+$0xFFFFFFC0] =	vst v4;
	(erf) = vrcp.f32 v8  }
0x137: {  	[tilespmem:s30+$0xFFFFFFD0] =	vst v2;
	(erf) = vrcp.f32 v3  }
0x138: {  	[tilespmem:s30+$0xFFFFFFE0] =	vst v1  }
0x139: {  	s1 =	sadd.s32 $0x80, s30;
	[tilespmem:s30+$0xFFFFFFF0] =	vst v0  }
0x13a: {  	[tilespmem:s1+$0x0] =	vst v5;
	v0 =	vpop (erf)  }
0x13b: {  	[tilespmem:s1+$0xFFFFFF90] =	vst v0;
	v0 =	vpop (erf)  }
0x13c: {  	[tilespmem:s1+$0xFFFFFFA0] =	vst v0;
	v0 =	vpop (erf)  }
0x13d: {  	[tilespmem:s1+$0xFFFFFFB0] =	vst v0;
	v0 =	vpop (erf)  }
0x13e: {  	[tilespmem:s1+$0xFFFFFFC0] =	vst v0;
	v0 =	vpop (erf)  }
0x13f: {  	[tilespmem:s1+$0xFFFFFFD0] =	vst v0;
	v0 =	vpop (erf)  }
0x140: {  	[tilespmem:s1+$0xFFFFFFE0] =	vst v0;
	v0 =	vpop (erf)  }
0x141: {  	[tilespmem:s1+$0xFFFFFFF0] =	vst v0  }
0x142: {  	[hbm4b:s9+s3] =	stream.linear.scatter [tilespmem:s20], [sflag:$0x7], $0xD00, $0x38;
	[tilespmem:$0xC680] =	vst v63  }
0x143: {  	_ =	swait.ge [sflag:s21], $0x1A00  }
0x144: {  	[sflag:s21] =	ssyncset.done $0x0  }
0x145: {  	s1 =	simm.s32 $0x34F0;
	[sflag:s21] =	ssyncadd.s32 $0xFFFFE600  }
0x146: {  	v0 =	vld [tilespmem:s1+$0x0]  }
0x147: {  	v1 =	vld [tilespmem:s1+$0xFFFFFF80]  }
0x148: {  	v2 =	vld [tilespmem:s1+$0xFFFFFF90]  }
0x149: {  	v3 =	vld [tilespmem:s1+$0xFFFFFFA0]  }
0x14a: {  	v4 =	vld [tilespmem:s1+$0xFFFFFFB0]  }
0x14b: {  	v5 =	vld [tilespmem:s1+$0xFFFFFFC0]  }
0x14c: {  	v6 =	vld [tilespmem:s1+$0xFFFFFFD0]  }
0x14d: {  	v7 =	vld [tilespmem:s1+$0xFFFFFFE0]  }
0x14e: {  	v8 =	vld [tilespmem:s1+$0xFFFFFFF0]  }
0x14f: {  	v9 =	vld [tilespmem:s1+$0xFFFFFF20]  }
0x150: {  	v10 =	vld [tilespmem:s1+$0xFFFFFF30];
	v0 =	vadd.s32 $0x2800, v0  }
0x151: {  	v11 =	vld [tilespmem:s1+$0xFFFFFF40]  }
0x152: {  	v12 =	vld [tilespmem:s1+$0xFFFFFF50]  }
0x153: {  	v13 =	vld [tilespmem:s1+$0xFFFFFF60]  }
0x154: {  	v2 =	vadd.s32 $0x2800, v2;
	v1 =	vld.idx.msk [tilespmem:v1+s13+$0x0], $0xffff  }
0x155: {  	v3 =	vadd.s32 $0x2800, v3;
	v0 =	vld.idx.msk [tilespmem:v0+s13+$0x0], $0xffff  }
0x156: {  	v14 =	vld [tilespmem:s1+$0xFFFFFF70];
	v4 =	vadd.s32 $0x2800, v4  }
0x157: {  	v15 =	vld [tilespmem:s1+$0xFFFFFF10];
	v5 =	vadd.s32 $0x2800, v5  }
0x158: {  	v6 =	vadd.s32 $0x2800, v6;
	v9 =	vld.idx.msk [tilespmem:v9+s13+$0x0], $0xffff  }
0x159: {  	v7 =	vadd.s32 $0x2800, v7;
	v2 =	vld.idx.msk [tilespmem:v2+s13+$0x0], $0xffff  }
0x15a: {  	v8 =	vadd.s32 $0x2800, v8;
	v3 =	vld.idx.msk [tilespmem:v3+s13+$0x0], $0xffff;
	v0 =	vadd.f32 v0, v1  }
0x15b: {  	v4 =	vld.idx.msk [tilespmem:v4+s13+$0x0], $0xffff  }
0x15c: {  	v1 =	vld.idx.msk [tilespmem:v5+s13+$0x0], $0xffff;
	v0 =	vsub.f32 $0.0e+00, v0  }
0x15d: {  	v5 =	vld.idx.msk [tilespmem:v6+s13+$0x0], $0xffff  }
0x15e: {  	v6 =	vld.idx.msk [tilespmem:v7+s13+$0x0], $0xffff;
	v0 =	vmul.f32 $1.442695020e+00, v0  }
0x15f: {  	v7 =	vld.idx.msk [tilespmem:v8+s13+$0x0], $0xffff  }
0x160: {  	v8 =	vld.idx.msk [tilespmem:v15+s13+$0x0], $0xffff;
	(erf) = vpow2.f32 v0  }
0x161: {  	v0 =	vld.idx.msk [tilespmem:v10+s13+$0x0], $0xffff  }
0x162: {  	v10 =	vld.idx.msk [tilespmem:v11+s13+$0x0], $0xffff  }
0x163: {  	v11 =	vld.idx.msk [tilespmem:v12+s13+$0x0], $0xffff  }
0x164: {  	v12 =	vld.idx.msk [tilespmem:v13+s13+$0x0], $0xffff  }
0x165: {  	s1 =	simm.s32 $0x35F0;
	v13 =	vld.idx.msk [tilespmem:v14+s13+$0x0], $0xffff  }
0x166: {  	v14 =	vld [tilespmem:s1+$0x0]  }
0x167: {  	v15 =	vld [tilespmem:s1+$0xFFFFFF80];
	v2 =	vadd.f32 v2, v8  }
0x168: {  	v3 =	vadd.f32 v3, v9  }
0x169: {  	v2 =	vsub.f32 $0.0e+00, v2;
	v16 =	vpop (erf)  }
0x16a: {  	v17 =	vld [tilespmem:s1+$0xFFFFFFB0];
	v3 =	vsub.f32 $0.0e+00, v3;
	v16 =	vadd.f32 $1.000000000e+00, v16  }
0x16b: {  	v18 =	vld [tilespmem:s1+$0xFFFFFFC0];
	v2 =	vmul.f32 $1.442695020e+00, v2;
	v14 =	vadd.s32 $0x2800, v14;
	v0 =	vadd.f32 v4, v0  }
0x16c: {  	v19 =	vld [tilespmem:s1+$0xFFFFFFD0];
	v3 =	vmul.f32 $1.442695020e+00, v3;
	v1 =	vadd.f32 v1, v10;
	(erf) = vrcp.f32 v16  }
0x16d: {  	v60 =	vld [tilespmem:s1+$0xFFFFFF60];
	v0 =	vsub.f32 $0.0e+00, v0;
	(erf) = vpow2.f32 v2  }
0x16e: {  	v8 =	vld [tilespmem:s1+$0xFFFFFF90];
	v1 =	vsub.f32 $0.0e+00, v1;
	(erf) = vpow2.f32 v3;
	v3 =	vadd.f32 v5, v11  }
0x16f: {  	v10 =	vld.idx.msk [tilespmem:v15+s13+$0x0], $0xffff;
	v0 =	vmul.f32 $1.442695020e+00, v0;
	v5 =	vadd.f32 v6, v12  }
0x170: {  	v7 =	vadd.f32 v7, v13;
	v1 =	vmul.f32 $1.442695020e+00, v1;
	v6 =	vld.idx.msk [tilespmem:v14+s13+$0x0], $0xffff;
	v3 =	vsub.f32 $0.0e+00, v3  }
0x171: {  	v2 =	vld [tilespmem:s1+$0xFFFFFFF0];
	(erf) = vpow2.f32 v0;
	v5 =	vsub.f32 $0.0e+00, v5  }
0x172: {  	v4 =	vld [tilespmem:s1+$0xFFFFFFE0];
	v7 =	vsub.f32 $0.0e+00, v7;
	(erf) = vpow2.f32 v1;
	v3 =	vmul.f32 $1.442695020e+00, v3  }
0x173: {  	v62 =	vld [tilespmem:s1+$0xFFFFFF70];
	v5 =	vmul.f32 $1.442695020e+00, v5  }
0x174: {  	v9 =	vld [tilespmem:s1+$0xFFFFFFA0];
	v7 =	vmul.f32 $1.442695020e+00, v7;
	v0 =	vadd.s32 $0x2800, v18;
	(erf) = vpow2.f32 v3  }
0x175: {  	v63 =	vld [tilespmem:s1+$0xFFFFFF10];
	v1 =	vadd.f32 v6, v10;
	v6 =	vadd.s32 $0x2800, v19;
	v61 =	vpop (erf);
	(erf) = vpow2.f32 v5  }
0x176: {  	v13 =	vld [tilespmem:s1+$0xFFFFFF40];
	v3 =	vpop (erf);
	(erf) = vpow2.f32 v7;
	v7 =	vadd.s32 $0x2800, v2  }
0x177: {  	v8 =	vadd.s32 $0x2800, v8;
	v11 =	vld [tilespmem:s1+$0xFFFFFF20];
	v10 =	vadd.s32 $0x2800, v4;
	v4 =	vadd.f32 $1.000000000e+00, v3;
	v3 =	vpop (erf)  }
0x178: {  	v12 =	vld [tilespmem:s1+$0xFFFFFF30];
	v2 =	vadd.f32 $1.000000000e+00, v3  }
0x179: {  	v9 =	vadd.s32 $0x2800, v9;
	(erf) = vrcp.f32 v4;
	v4 =	vld.idx.msk [tilespmem:v0+s13+$0x0], $0xffff  }
0x17a: {  	v1 =	vsub.f32 $0.0e+00, v1;
	(erf) = vrcp.f32 v2;
	v2 =	vld.idx.msk [tilespmem:v6+s13+$0x0], $0xffff;
	v6 =	vpop (erf)  }
0x17b: {  	v0 =	vld.idx.msk [tilespmem:v7+s13+$0x0], $0xffff;
	v6 =	vadd.f32 $1.000000000e+00, v6;
	v7 =	vpop (erf)  }
0x17c: {  	v15 =	vadd.s32 $0x2800, v17;
	v20 =	vld.idx.msk [tilespmem:v8+s13+$0x0], $0xffff;
	v1 =	vmul.f32 $1.442695020e+00, v1;
	v7 =	vadd.f32 $1.000000000e+00, v7  }
0x17d: {  	v14 =	vld [tilespmem:s1+$0xFFFFFF50]  }
0x17e: {  	v5 =	vld.idx.msk [tilespmem:v9+s13+$0x0], $0xffff;
	(erf) = vpow2.f32 v1;
	v8 =	vpop (erf)  }
0x17f: {  	v11 =	vld.idx.msk [tilespmem:v11+s13+$0x0], $0xffff;
	(erf) = vrcp.f32 v6;
	v8 =	vadd.f32 $1.000000000e+00, v8;
	v6 =	vpop (erf)  }
0x180: {  	v9 =	vld.idx.msk [tilespmem:v12+s13+$0x0], $0xffff;
	(erf) = vrcp.f32 v7;
	v6 =	vadd.f32 $1.000000000e+00, v6;
	v7 =	vpop (erf)  }
0x181: {  	v3 =	vld.idx.msk [tilespmem:v15+s13+$0x0], $0xffff;
	(erf) = vrcp.f32 v8;
	v7 =	vadd.f32 $1.000000000e+00, v7  }
0x182: {  	v15 =	vld.idx.msk [tilespmem:v63+s13+$0x0], $0xffff;
	(erf) = vrcp.f32 v6  }
0x183: {  	v1 =	vld.idx.msk [tilespmem:v10+s13+$0x0], $0xffff;
	(erf) = vrcp.f32 v7  }
0x184: {  	s30 =	simm.s32 $0xB970;
	v10 =	vld.idx.msk [tilespmem:v13+s13+$0x0], $0xffff  }
0x185: {  	[tilespmem:s30+$0x0] =	vst v61;
	v8 =	vld.idx.msk [tilespmem:v14+s13+$0x0], $0xffff;
	v12 =	vpop (erf)  }
0x186: {  	v6 =	vld.idx.msk [tilespmem:v60+s13+$0x0], $0xffff;
	[tilespmem:s30+$0xFFFFFF90] =	vst v12;
	v14 =	vpop (erf)  }
0x187: {  	s31 =	simm.s32 $0x1A80;
	s1 =	simm.s32 $0x36F0;
	v12 =	vadd.f32 v20, v15;
	v7 =	vld.idx.msk [tilespmem:v62+s13+$0x0], $0xffff;
	v13 =	vpop (erf);
	[tilespmem:s30+$0xFFFFFFA0] =	vst v14  }
.LBB2_6:
0x188: {  	v14 =	vld [tilespmem:s1+$0x0];
	s31 =	sadd.s32 $0x80, s31;
	v5 =	vadd.f32 v5, v11;
	v11 =	vadd.f32 $1.000000000e+00, v13;
	v13 =	vpop (erf)  }
0x189: {  	v3 =	vadd.f32 v3, v9;
	v15 =	vld [tilespmem:s1+$0xFFFFFF80];
	p1 =	slt.u32 s31, $0x2680;
	v12 =	vsub.f32 $0.0e+00, v12;
	[tilespmem:s30+$0xFFFFFFB0] =	vst v13;
	v9 =	vpop (erf)  }
0x18a: {  	v4 =	vadd.f32 v4, v10;
	v13 =	vld [tilespmem:s1+$0xFFFFFF90];
	v5 =	vsub.f32 $0.0e+00, v5;
	(erf) = vrcp.f32 v11;
	[tilespmem:s30+$0xFFFFFFC0] =	vst v9;
	v9 =	vpop (erf)  }
0x18b: {  	v3 =	vsub.f32 $0.0e+00, v3;
	v2 =	vadd.f32 v2, v8;
	v10 =	vld [tilespmem:s1+$0xFFFFFFA0];
	v11 =	vmul.f32 $1.442695020e+00, v12;
	[tilespmem:s30+$0xFFFFFFD0] =	vst v9;
	v8 =	vpop (erf)  }
0x18c: {  	v4 =	vsub.f32 $0.0e+00, v4;
	v1 =	vadd.f32 v1, v6;
	v9 =	vld [tilespmem:s1+$0xFFFFFFB0];
	v5 =	vmul.f32 $1.442695020e+00, v5;
	[tilespmem:s30+$0xFFFFFFE0] =	vst v8;
	v6 =	vpop (erf)  }
0x18d: {  	v2 =	vsub.f32 $0.0e+00, v2;
	v0 =	vadd.f32 v0, v7;
	v8 =	vld [tilespmem:s1+$0xFFFFFFC0];
	v12 =	vadd.s32 $0x2800, v14;
	[tilespmem:s30+$0xFFFFFFF0] =	vst v6  }
0x18e: {  	v3 =	vmul.f32 $1.442695020e+00, v3;
	v4 =	vmul.f32 $1.442695020e+00, v4;
	v1 =	vsub.f32 $0.0e+00, v1;
	v6 =	vld [tilespmem:s1+$0xFFFFFFD0]  }
0x18f: {  	v2 =	vmul.f32 $1.442695020e+00, v2;
	v0 =	vsub.f32 $0.0e+00, v0;
	v7 =	vadd.s32 $0x2800, v13;
	v13 =	vld [tilespmem:s1+$0xFFFFFFE0]  }
0x190: {  	v1 =	vmul.f32 $1.442695020e+00, v1;
	v10 =	vadd.s32 $0x2800, v10;
	v14 =	vld [tilespmem:s1+$0xFFFFFFF0];
	(erf) = vpow2.f32 v11  }
0x191: {  	v0 =	vmul.f32 $1.442695020e+00, v0;
	v9 =	vadd.s32 $0x2800, v9;
	v11 =	vld.idx.msk [tilespmem:v15+s13+$0x0], $0xffff;
	(erf) = vpow2.f32 v5  }
0x192: {  	v8 =	vadd.s32 $0x2800, v8;
	v5 =	vld.idx.msk [tilespmem:v12+s13+$0x0], $0xffff;
	(erf) = vpow2.f32 v3  }
0x193: {  	s30 =	sadd.s32 $0x80, s30;
	v12 =	vld [tilespmem:s1+$0xFFFFFF20];
	v6 =	vadd.s32 $0x2800, v6;
	(erf) = vpow2.f32 v4;
	v3 =	vpop (erf)  }
0x194: {  	v15 =	vld [tilespmem:s1+$0xFFFFFF30];
	v13 =	vadd.s32 $0x2800, v13;
	[tilespmem:s30+$0x0] =	vst v3;
	(erf) = vpow2.f32 v2  }
0x195: {  	v16 =	vld [tilespmem:s1+$0xFFFFFF40];
	v14 =	vadd.s32 $0x2800, v14;
	(erf) = vpow2.f32 v1  }
0x196: {  	v17 =	vld [tilespmem:s1+$0xFFFFFF50];
	(erf) = vpow2.f32 v0  }
0x197: {  	v18 =	vld [tilespmem:s1+$0xFFFFFF60]  }
0x198: {  	v0 =	vadd.f32 v5, v11;
	v19 =	vld [tilespmem:s1+$0xFFFFFF70]  }
0x199: {  	v11 =	vld [tilespmem:s1+$0xFFFFFF10];
	v1 =	vpop (erf)  }
0x19a: {  	v0 =	vsub.f32 $0.0e+00, v0;
	v7 =	vld.idx.msk [tilespmem:v7+s13+$0x0], $0xffff;
	v20 =	vadd.f32 $1.000000000e+00, v1;
	v2 =	vpop (erf)  }
0x19b: {  	v5 =	vld.idx.msk [tilespmem:v10+s13+$0x0], $0xffff;
	v2 =	vadd.f32 $1.000000000e+00, v2;
	v4 =	vpop (erf)  }
0x19c: {  	v10 =	vmul.f32 $1.442695020e+00, v0;
	v3 =	vld.idx.msk [tilespmem:v9+s13+$0x0], $0xffff;
	v21 =	vadd.f32 $1.000000000e+00, v4;
	(erf) = vrcp.f32 v20;
	v1 =	vpop (erf)  }
0x19d: {  	v4 =	vld.idx.msk [tilespmem:v8+s13+$0x0], $0xffff;
	v8 =	vadd.f32 $1.000000000e+00, v1;
	(erf) = vrcp.f32 v2;
	v1 =	vpop (erf)  }
0x19e: {  	v2 =	vld.idx.msk [tilespmem:v6+s13+$0x0], $0xffff;
	(erf) = vpow2.f32 v10;
	v6 =	vadd.f32 $1.000000000e+00, v1;
	v0 =	vpop (erf)  }
0x19f: {  	v1 =	vld.idx.msk [tilespmem:v13+s13+$0x0], $0xffff;
	v10 =	vadd.f32 $1.000000000e+00, v0;
	(erf) = vrcp.f32 v21;
	v9 =	vpop (erf)  }
0x1a0: {  	v0 =	vld.idx.msk [tilespmem:v14+s13+$0x0], $0xffff;
	v13 =	vadd.f32 $1.000000000e+00, v9;
	(erf) = vrcp.f32 v8  }
0x1a1: {  	v14 =	vld.idx.msk [tilespmem:v11+s13+$0x0], $0xffff;
	(erf) = vrcp.f32 v6  }
0x1a2: {  	v11 =	vld.idx.msk [tilespmem:v12+s13+$0x0], $0xffff;
	(erf) = vrcp.f32 v10  }
.Ltmp4:
0x1a3: {  	v9 =	vld.idx.msk [tilespmem:v15+s13+$0x0], $0xffff;
	(erf) = vrcp.f32 v13;
	(pc) =	sbr.rel @p1 .LBB2_6-.Ltmp4, $4  }
0x1a4: {  	v10 =	vld.idx.msk [tilespmem:v16+s13+$0x0], $0xffff  }
0x1a5: {  	v8 =	vld.idx.msk [tilespmem:v17+s13+$0x0], $0xffff;
	v12 =	vpop (erf)  }
0x1a6: {  	v6 =	vld.idx.msk [tilespmem:v18+s13+$0x0], $0xffff;
	[tilespmem:s30+$0xFFFFFF90] =	vst v12;
	v15 =	vpop (erf)  }
0x1a7: {  	s1 =	sadd.s32 $0x100, s1;
	v12 =	vadd.f32 v7, v14;
	v7 =	vld.idx.msk [tilespmem:v19+s13+$0x0], $0xffff;
	v13 =	vpop (erf);
	[tilespmem:s30+$0xFFFFFFA0] =	vst v15  }
0x1a8: {  	v5 =	vadd.f32 v5, v11  }
0x1a9: {  	v40 =	vadd.f32 $1.000000000e+00, v13;
	v3 =	vadd.f32 v3, v9  }
0x1aa: {  	v12 =	vsub.f32 $0.0e+00, v12;
	v4 =	vadd.f32 v4, v10  }
0x1ab: {  	v5 =	vsub.f32 $0.0e+00, v5;
	(erf) = vrcp.f32 v40;
	v2 =	vadd.f32 v2, v8  }
0x1ac: {  	v3 =	vsub.f32 $0.0e+00, v3;
	v41 =	vmul.f32 $1.442695020e+00, v12;
	v4 =	vsub.f32 $0.0e+00, v4  }
0x1ad: {  	v1 =	vadd.f32 v1, v6;
	v5 =	vmul.f32 $1.442695020e+00, v5;
	v2 =	vsub.f32 $0.0e+00, v2  }
0x1ae: {  	v0 =	vadd.f32 v0, v7;
	v3 =	vmul.f32 $1.442695020e+00, v3;
	(erf) = vpow2.f32 v41  }
0x1af: {  	v4 =	vmul.f32 $1.442695020e+00, v4;
	v1 =	vsub.f32 $0.0e+00, v1;
	(erf) = vpow2.f32 v5  }
0x1b0: {  	v2 =	vmul.f32 $1.442695020e+00, v2;
	v0 =	vsub.f32 $0.0e+00, v0;
	(erf) = vpow2.f32 v3  }
0x1b1: {  	v42 =	vpop (erf);
	v1 =	vmul.f32 $1.442695020e+00, v1;
	(erf) = vpow2.f32 v4  }
0x1b2: {  	v43 =	vpop (erf);
	v0 =	vmul.f32 $1.442695020e+00, v0;
	(erf) = vpow2.f32 v2  }
0x1b3: {  	v44 =	vpop (erf);
	(erf) = vpow2.f32 v1  }
0x1b4: {  	v45 =	vpop (erf);
	(erf) = vpow2.f32 v0  }
0x1b5: {  	v46 =	vpop (erf)  }
0x1b6: {  	v47 =	vpop (erf)  }
0x1b7: {  	v48 =	vpop (erf)  }
0x1b8: {  	v6 =	vadd.f32 $1.000000000e+00, v48;
	v49 =	vpop (erf)  }
0x1b9: {  	v7 =	vadd.f32 $1.000000000e+00, v49;
	v50 =	vpop (erf)  }
0x1ba: {  	v8 =	vadd.f32 $1.000000000e+00, v50;
	(erf) = vrcp.f32 v6;
	v51 =	vpop (erf)  }
0x1bb: {  	v6 =	vadd.f32 $1.000000000e+00, v51;
	(erf) = vrcp.f32 v7;
	v52 =	vpop (erf)  }
0x1bc: {  	v7 =	vadd.f32 $1.000000000e+00, v52;
	v53 =	vpop (erf);
	(erf) = vrcp.f32 v8  }
0x1bd: {  	v54 =	vadd.f32 $1.000000000e+00, v53;
	v55 =	vpop (erf);
	(erf) = vrcp.f32 v6  }
0x1be: {  	[tilespmem:s30+$0xFFFFFFB0] =	vst v42;
	v56 =	vadd.f32 $1.000000000e+00, v55;
	(erf) = vrcp.f32 v7  }
0x1bf: {  	[tilespmem:s30+$0xFFFFFFC0] =	vst v43;
	(erf) = vrcp.f32 v54  }
0x1c0: {  	[tilespmem:s30+$0xFFFFFFD0] =	vst v44;
	(erf) = vrcp.f32 v56  }
0x1c1: {  	[tilespmem:s30+$0xFFFFFFE0] =	vst v45  }
0x1c2: {  	s1 =	sadd.s32 $0x80, s30;
	[tilespmem:s30+$0xFFFFFFF0] =	vst v46  }
0x1c3: {  	[tilespmem:s1+$0x0] =	vst v47;
	v57 =	vpop (erf)  }
0x1c4: {  	[tilespmem:s1+$0xFFFFFF90] =	vst v57;
	v58 =	vpop (erf)  }
0x1c5: {  	[tilespmem:s1+$0xFFFFFFA0] =	vst v58;
	v59 =	vpop (erf)  }
0x1c6: {  	[tilespmem:s1+$0xFFFFFFB0] =	vst v59;
	v60 =	vpop (erf)  }
.Ltmp5:
0x1c7: {  	[tilespmem:s1+$0xFFFFFFC0] =	vst v60;
	v61 =	vpop (erf);
	(pc) =	sbr.rel @p0 .LBB2_9-.Ltmp5, $4  }
0x1c8: {  	[tilespmem:s1+$0xFFFFFFD0] =	vst v61;
	v62 =	vpop (erf)  }
0x1c9: {  	[tilespmem:s1+$0xFFFFFFE0] =	vst v62;
	v63 =	vpop (erf)  }
0x1ca: {  	[tilespmem:s1+$0xFFFFFFF0] =	vst v63  }
0x1cb: {  	[hbm4b:s10+s3] =	stream.linear.scatter [tilespmem:s22], [sflag:$0x8], $0xD00, $0x38;
	[tilespmem:$0xC680] =	vst v63  }
0x1cc: {  	v0 =	vld [tilespmem:$0x4E80]  }
0x1cd: {  	v1 =	vld [tilespmem:$0x4E00];
	_ =	sdelay $0x3  }
0x1ce: {  	v0 =	vadd.s32 $0x2800, v0;
	_ =	sdelay $0x3  }
0x1cf: {  	v1 =	vld.idx.msk [tilespmem:v1+s13+$0x0], $0xffff  }
0x1d0: {  	v0 =	vld.idx.msk [tilespmem:v0+s13+$0x0], $0xffff;
	_ =	sdelay $0x2  }
0x1d1: {  	v2 =	vld [tilespmem:$0x4E90]  }
0x1d2: {  	v3 =	vld [tilespmem:$0x4E10]  }
0x1d3: {  	v0 =	vadd.f32 v0, v1;
	_ =	sdelay $0x1  }
0x1d4: {  	v0 =	vsub.f32 $0.0e+00, v0  }
0x1d5: {  	v32 =	vadd.s32 $0x2800, v2  }
0x1d6: {  	v0 =	vmul.f32 $1.442695020e+00, v0;
	_ =	sdelay $0x1  }
0x1d7: {  	(erf) = vpow2.f32 v0  }
0x1d8: {  	v33 =	vld.idx.msk [tilespmem:v3+s13+$0x0], $0xffff  }
0x1d9: {  	v1 =	vld.idx.msk [tilespmem:v32+s13+$0x0], $0xffff;
	_ =	sdelay $0x2  }
0x1da: {  	v34 =	vld [tilespmem:$0x4EA0]  }
0x1db: {  	v35 =	vld [tilespmem:$0x4E20]  }
0x1dc: {  	v0 =	vadd.f32 v1, v33;
	_ =	sdelay $0x1  }
0x1dd: {  	v0 =	vsub.f32 $0.0e+00, v0;
	v36 =	vpop (erf)  }
0x1de: {  	v2 =	vadd.s32 $0x2800, v34;
	v1 =	vadd.f32 $1.000000000e+00, v36  }
0x1df: {  	v0 =	vmul.f32 $1.442695020e+00, v0  }
0x1e0: {  	(erf) = vrcp.f32 v1  }
0x1e1: {  	(erf) = vpow2.f32 v0  }
0x1e2: {  	v37 =	vld.idx.msk [tilespmem:v35+s13+$0x0], $0xffff  }
0x1e3: {  	v38 =	vld.idx.msk [tilespmem:v2+s13+$0x0], $0xffff;
	_ =	sdelay $0x2  }
0x1e4: {  	v39 =	vld [tilespmem:$0x4EB0]  }
0x1e5: {  	v40 =	vld [tilespmem:$0x4E30]  }
0x1e6: {  	v0 =	vadd.f32 v38, v37  }
0x1e7: {  	v41 =	vpop (erf)  }
0x1e8: {  	v0 =	vsub.f32 $0.0e+00, v0;
	v4 =	vpop (erf)  }
0x1e9: {  	v2 =	vadd.s32 $0x2800, v39;
	v4 =	vadd.f32 $1.000000000e+00, v4  }
0x1ea: {  	v0 =	vmul.f32 $1.442695020e+00, v0  }
0x1eb: {  	(erf) = vrcp.f32 v4  }
0x1ec: {  	(erf) = vpow2.f32 v0  }
0x1ed: {  	v42 =	vld.idx.msk [tilespmem:v40+s13+$0x0], $0xffff  }
0x1ee: {  	v2 =	vld.idx.msk [tilespmem:v2+s13+$0x0], $0xffff;
	_ =	sdelay $0x2  }
0x1ef: {  	v43 =	vld [tilespmem:$0x4EC0]  }
0x1f0: {  	v44 =	vld [tilespmem:$0x4E40]  }
0x1f1: {  	v0 =	vadd.f32 v2, v42  }
0x1f2: {  	v45 =	vpop (erf)  }
0x1f3: {  	v0 =	vsub.f32 $0.0e+00, v0;
	v5 =	vpop (erf)  }
0x1f4: {  	v3 =	vadd.s32 $0x2800, v43;
	v5 =	vadd.f32 $1.000000000e+00, v5  }
0x1f5: {  	v0 =	vmul.f32 $1.442695020e+00, v0  }
0x1f6: {  	(erf) = vrcp.f32 v5  }
0x1f7: {  	(erf) = vpow2.f32 v0  }
0x1f8: {  	v46 =	vld.idx.msk [tilespmem:v44+s13+$0x0], $0xffff  }
0x1f9: {  	v3 =	vld.idx.msk [tilespmem:v3+s13+$0x0], $0xffff;
	_ =	sdelay $0x2  }
0x1fa: {  	v47 =	vld [tilespmem:$0x4ED0]  }
0x1fb: {  	v48 =	vld [tilespmem:$0x4E50]  }
0x1fc: {  	v0 =	vadd.f32 v3, v46  }
0x1fd: {  	v49 =	vpop (erf)  }
0x1fe: {  	v0 =	vsub.f32 $0.0e+00, v0;
	v6 =	vpop (erf)  }
0x1ff: {  	v4 =	vadd.s32 $0x2800, v47;
	v6 =	vadd.f32 $1.000000000e+00, v6  }
0x200: {  	v0 =	vmul.f32 $1.442695020e+00, v0  }
0x201: {  	(erf) = vrcp.f32 v6  }
0x202: {  	(erf) = vpow2.f32 v0  }
0x203: {  	v50 =	vld.idx.msk [tilespmem:v48+s13+$0x0], $0xffff  }
0x204: {  	v4 =	vld.idx.msk [tilespmem:v4+s13+$0x0], $0xffff;
	_ =	sdelay $0x2  }
0x205: {  	v51 =	vld [tilespmem:$0x4EE0]  }
0x206: {  	v52 =	vld [tilespmem:$0x4E60]  }
0x207: {  	v0 =	vadd.f32 v4, v50  }
0x208: {  	v53 =	vpop (erf)  }
0x209: {  	v0 =	vsub.f32 $0.0e+00, v0;
	v7 =	vpop (erf)  }
0x20a: {  	v5 =	vadd.s32 $0x2800, v51;
	v7 =	vadd.f32 $1.000000000e+00, v7  }
0x20b: {  	v0 =	vmul.f32 $1.442695020e+00, v0  }
0x20c: {  	(erf) = vrcp.f32 v7  }
0x20d: {  	(erf) = vpow2.f32 v0  }
0x20e: {  	v54 =	vld.idx.msk [tilespmem:v52+s13+$0x0], $0xffff  }
0x20f: {  	v5 =	vld.idx.msk [tilespmem:v5+s13+$0x0], $0xffff;
	_ =	sdelay $0x2  }
0x210: {  	v55 =	vld [tilespmem:$0x4EF0]  }
0x211: {  	v56 =	vld [tilespmem:$0x4E70]  }
0x212: {  	v0 =	vadd.f32 v5, v54  }
0x213: {  	v57 =	vpop (erf)  }
0x214: {  	v0 =	vsub.f32 $0.0e+00, v0;
	v8 =	vpop (erf)  }
0x215: {  	v6 =	vadd.s32 $0x2800, v55;
	v8 =	vadd.f32 $1.000000000e+00, v8  }
0x216: {  	v0 =	vmul.f32 $1.442695020e+00, v0  }
0x217: {  	(erf) = vrcp.f32 v8  }
0x218: {  	(erf) = vpow2.f32 v0  }
0x219: {  	v58 =	vld.idx.msk [tilespmem:v56+s13+$0x0], $0xffff  }
0x21a: {  	v6 =	vld.idx.msk [tilespmem:v6+s13+$0x0], $0xffff;
	_ =	sdelay $0x4  }
0x21b: {  	v0 =	vadd.f32 v6, v58  }
0x21c: {  	v59 =	vpop (erf)  }
0x21d: {  	v0 =	vsub.f32 $0.0e+00, v0;
	v60 =	vpop (erf)  }
0x21e: {  	v7 =	vadd.f32 $1.000000000e+00, v60  }
0x21f: {  	v0 =	vmul.f32 $1.442695020e+00, v0  }
0x220: {  	(erf) = vrcp.f32 v7  }
0x221: {  	(erf) = vpow2.f32 v0;
	_ =	sdelay $0x7  }
0x222: {  	v61 =	vpop (erf)  }
0x223: {  	v62 =	vpop (erf)  }
0x224: {  	v7 =	vadd.f32 $1.000000000e+00, v62;
	_ =	sdelay $0x1  }
0x225: {  	(erf) = vrcp.f32 v7;
	_ =	sdelay $0x2  }
0x226: {  	[tilespmem:$0xC600] =	vst v41  }
0x227: {  	[tilespmem:$0xC610] =	vst v45  }
0x228: {  	[tilespmem:$0xC620] =	vst v49  }
0x229: {  	[tilespmem:$0xC630] =	vst v53  }
0x22a: {  	[tilespmem:$0xC640] =	vst v57  }
0x22b: {  	[tilespmem:$0xC650] =	vst v59  }
0x22c: {  	[tilespmem:$0xC660] =	vst v61;
	v63 =	vpop (erf)  }
.Ltmp6:
0x22d: {  	[tilespmem:$0xC670] =	vst v63;
	(pc) =	sbr.rel .LBB2_9-.Ltmp6, $4  }
0x22e: {  	[hbm4b:s11+s3] =	stream.linear.scatter [tilespmem:s23], [sflag:$0x9], $0x80, $0x38;
	[tilespmem:$0xC680] =	vst v63  }
0x22f: {  	_ =	swait.ge [sflag:s24], $0x80  }
0x230: {  	[sflag:s24] =	ssyncset.done $0x0  }
0x231: {  	[sflag:s24] =	ssyncadd.s32 $0xFFFFFF80  }
.LBB2_10:
0x232: {  	_ =	sfence.sel $0x180000  }
0x233: {  	[bflag:$0x0] =	sbarrier.arrive $0xFFFF  }
0x234: {  	_ =	strace $0x90000047  }
0x235: {  	[bflag:$0x2] =	sbarrier.arrive $0xFFFF  }
0x236: {  	p0 =	sne.s32 s0, $0x0;
	s0 =	rddreg [dreg:$0x3]  }
0x237: {  	s0 =	sadd.s32 @!p0 $0x100000, s0  }
0x238: {  	[sflag:s0] =	ssyncadd.tile.s32 @!p0 $0x1;
	_ =	shalt  }
.Lfunc_end2:
_tile_overlayer_lowered:
.L_overlay_start_2:
0x239: {  	(tag) =	ssettag $0x2  }
0x23a: {  	s0 =	rddreg [dreg:$0x0];
	s2 =	stileid.u32  }
0x23b: {  	s1 =	rddreg [dreg:$0x1];
	p0 =	sne.s32 s2, $0x0  }
0x23c: {  	s3 =	rddreg [dreg:$0x2];
	[bflag:$0x3] =	sbarrier.arrive $0xFFFF;
	s2 =	simm.s32 @!p0 $0x1C09  }
0x23d: {  	[timem:s3], [sflag:s2] =	dma.local @!p0 [hbm:s0], s1  }
0x23e: {  	s0 =	simm.s32 @!p0 $0x9  }
0x23f: {  	_ =	swait.ge @!p0 [sflag:s0], s1  }
0x240: {  	s1 =	ssub.s32 @!p0 $0x0, s1;
	[sflag:s0] =	ssyncset.done @!p0 $0x0  }
0x241: {  	[sflag:s0] =	ssyncadd.s32 @!p0 s1  }
0x242: {  	[bflag:$0x3] =	sbarrier.arrive $0xFFFF  }
0x243: {  	_ =	shalt  }

</sc_bundles>
